<compile_context>
chip_gen: v7x
topology: tpu7x:2x2x1
jax: 0.10.2.dev20260603
libtpu: 0.0.44.dev20260713+nightly
codegen_flags: <defaults>
</compile_context>

<pallas_src>
import functools

import jax
import jax.numpy as jnp
from jax import lax
from jax.experimental import pallas as pl
from jax.experimental.pallas import tpu as pltpu
from jax.experimental.pallas import tpu_sc as plsc

_VOCAB = 1000000
_EMBED_DIM = 32
_BATCH = 4096
_N_FIELDS = 26
_WIDE_IN = 1024
_WIDE_OUT = 64
_H1 = 256
_H2 = 128
_DEEP_OUT = 64

_B_FLAT = _BATCH * _N_FIELDS
_B_PACK = _B_FLAT // 4

_NC = 2
_NS = 16
_NW = _NC * _NS
_B_PER_W = _B_FLAT // _NW


_TR_BLKV = 16384
_TR_STEPS = _VOCAB // _TR_BLKV
_TR_TAIL = _VOCAB - _TR_STEPS * _TR_BLKV


def _pack_body(x_ref, o_ref):
    eye_pad = jnp.concatenate(
        [
            jnp.eye(_EMBED_DIM, dtype=jnp.float32),
            jnp.zeros((_EMBED_DIM, 128 - _EMBED_DIM), dtype=jnp.float32),
        ],
        axis=1,
    )
    o_ref[...] = lax.dot_general(
        x_ref[...], eye_pad, (((0,), (0,)), ((), ())),
        preferred_element_type=jnp.float32,
    )


def _tc_table_pack(table_t):
    grid = (pl.cdiv(_VOCAB, _TR_BLKV),)
    return pl.pallas_call(
        _pack_body,
        grid=grid,
        in_specs=[pl.BlockSpec((_EMBED_DIM, _TR_BLKV), lambda i: (0, i))],
        out_specs=pl.BlockSpec((_TR_BLKV, 128), lambda i: (i, 0)),
        out_shape=jax.ShapeDtypeStruct((_VOCAB, 128), jnp.float32),
    )(table_t)


_G_CHUNKS = 8
_G_ROWS = _B_PER_W // _G_CHUNKS


def _sc_gather(table_rm, idx):
    mesh = plsc.VectorSubcoreMesh(core_axis_name="c", subcore_axis_name="s")

    @functools.partial(
        pl.kernel,
        mesh=mesh,
        out_type=jax.ShapeDtypeStruct((_B_FLAT, _EMBED_DIM), jnp.float32),
        compiler_params=pltpu.CompilerParams(use_tc_tiling_on_sc=False),
        scratch_types=[
            pltpu.VMEM((_B_PER_W,), jnp.int32),
            pltpu.VMEM((_G_ROWS, 128), jnp.float32),
            pltpu.VMEM((_G_ROWS, 128), jnp.float32),
            pltpu.SemaphoreType.DMA,
            pltpu.SemaphoreType.DMA,
        ],
    )
    def k(table_hbm, idx_hbm, out_hbm, idx_v, rows_a, rows_b, sem_a, sem_b):
        wid = lax.axis_index("s") * _NC + lax.axis_index("c")
        base = wid * _B_PER_W
        bufs = (rows_a, rows_b)
        sems = (sem_a, sem_b)
        pltpu.sync_copy(idx_hbm.at[pl.ds(base, _B_PER_W)], idx_v)

        def gather_start(c):
            return pltpu.async_copy(
                table_hbm.at[idx_v.at[pl.ds(c * _G_ROWS, _G_ROWS)]],
                bufs[c % 2],
                sems[c % 2],
            )

        def strip_out(c):
            pltpu.sync_copy(
                bufs[c % 2].at[:, pl.ds(0, _EMBED_DIM)],
                out_hbm.at[pl.ds(base + c * _G_ROWS, _G_ROWS)],
            )

        pending = gather_start(0)
        for c in range(1, _G_CHUNKS):
            pending.wait()
            pending = gather_start(c)
            strip_out(c - 1)
        pending.wait()
        strip_out(_G_CHUNKS - 1)

    return k(table_rm, idx)


_WIDE_BLK = 512


def _wide_body(x_ref, w_ref, b_ref, o_ref):
    y = (
        jnp.dot(x_ref[...], w_ref[...], preferred_element_type=jnp.float32)
        + b_ref[...]
    )
    o_ref[...] = y.T


def _tc_wide(wide_input, W_wide, b_wide):
    grid = (_BATCH // _WIDE_BLK,)
    return pl.pallas_call(
        _wide_body,
        grid=grid,
        in_specs=[
            pl.BlockSpec((_WIDE_BLK, _WIDE_IN), lambda i: (i, 0)),
            pl.BlockSpec((_WIDE_IN, _WIDE_OUT), lambda i: (0, 0)),
            pl.BlockSpec((1, _WIDE_OUT), lambda i: (0, 0)),
        ],
        out_specs=pl.BlockSpec((_WIDE_OUT, _WIDE_BLK), lambda i: (0, i)),
        out_shape=jax.ShapeDtypeStruct((_WIDE_OUT, _BATCH), jnp.float32),
    )(wide_input, W_wide, b_wide.reshape(1, _WIDE_OUT))


_MLP_BLK = 8192
_MLP_PBLK = _MLP_BLK // 4


def _mlp_body(x_ref, w1_ref, b1_ref, w2_ref, b2_ref, w3_ref, b3_ref, o_ref):
    w1 = w1_ref[...].astype(jnp.bfloat16)
    w2 = w2_ref[...].astype(jnp.bfloat16)
    w3 = w3_ref[...].astype(jnp.bfloat16)
    ys = []
    for k in range(4):
        x = x_ref[:, k * _EMBED_DIM : (k + 1) * _EMBED_DIM].astype(jnp.bfloat16)
        h = jnp.maximum(
            jnp.dot(x, w1, preferred_element_type=jnp.float32) + b1_ref[...],
            0.0,
        ).astype(jnp.bfloat16)
        h = jnp.maximum(
            jnp.dot(h, w2, preferred_element_type=jnp.float32) + b2_ref[...],
            0.0,
        ).astype(jnp.bfloat16)
        ys.append(
            jnp.dot(h, w3, preferred_element_type=jnp.float32) + b3_ref[...]
        )
    y = jnp.stack(ys, axis=1).reshape(_MLP_BLK, _DEEP_OUT)
    o_ref[...] = jnp.stack(
        [y[: _MLP_BLK // 2].T, y[_MLP_BLK // 2 :].T], axis=0
    )


def _tc_mlp(emb_pack, W1, b1, W2, b2, W3, b3):
    grid = (_N_FIELDS // 2,)
    return pl.pallas_call(
        _mlp_body,
        grid=grid,
        in_specs=[
            pl.BlockSpec((_MLP_PBLK, 4 * _EMBED_DIM), lambda f: (f, 0)),
            pl.BlockSpec((_EMBED_DIM, _H1), lambda f: (0, 0)),
            pl.BlockSpec((1, _H1), lambda f: (0, 0)),
            pl.BlockSpec((_H1, _H2), lambda f: (0, 0)),
            pl.BlockSpec((1, _H2), lambda f: (0, 0)),
            pl.BlockSpec((_H2, _DEEP_OUT), lambda f: (0, 0)),
            pl.BlockSpec((1, _DEEP_OUT), lambda f: (0, 0)),
        ],
        out_specs=pl.BlockSpec((2, _DEEP_OUT, _BATCH), lambda f: (f, 0, 0)),
        out_shape=jax.ShapeDtypeStruct((_N_FIELDS, _DEEP_OUT, _BATCH), jnp.float32),
    )(
        emb_pack,
        W1,
        b1.reshape(1, _H1),
        W2,
        b2.reshape(1, _H2),
        W3,
        b3.reshape(1, _DEEP_OUT),
    )


def kernel(wide_input, deep_input, table, W_wide, b_wide, W1, b1, W2, b2, W3, b3):
    idx = deep_input.astype(jnp.int32).T.reshape(_B_FLAT)
    table_rm = _tc_table_pack(table.T)
    emb_pack = _sc_gather(table_rm, idx).reshape(_B_PACK, 4 * _EMBED_DIM)
    wide_t = _tc_wide(wide_input, W_wide, b_wide)
    deep_t = _tc_mlp(emb_pack, W1, b1, W2, b2, W3, b3)
    wide_out = wide_t.T
    deep_out = jnp.transpose(deep_t, (2, 0, 1))
    return (wide_out, deep_out)

# --- scband reference (transcript-rebuilt; emitter-appended) ---
"""Pipeline reference for scband-wide-deep-76656576299560 (READ-ONLY COPY).

The authoritative reference and input builder live on the scoring server;
editing this copy changes nothing except your own understanding.
"""

import jax, jax.numpy as jnp
import numpy as np

VOCAB = 1000000
EMBED_DIM = 32
BATCH = 4096
N_FIELDS = 26
WIDE_IN = 1024
WIDE_OUT = 64
HIDDEN1 = 256
HIDDEN2 = 128
DEEP_OUT = 64


def setup_inputs(seed: int = 0) -> dict:
    key = jax.random.key(seed)
    ks = jax.random.split(key, 12)
    wide_input = jax.random.normal(ks[0], (BATCH, WIDE_IN), dtype=jnp.float32)
    deep_input = jax.random.randint(ks[1], (BATCH, N_FIELDS), 0, VOCAB, dtype=jnp.int64)
    table = jax.random.normal(ks[2], (VOCAB, EMBED_DIM), dtype=jnp.float32) * 0.02
    W_wide = jax.random.normal(ks[3], (WIDE_IN, WIDE_OUT), dtype=jnp.float32) * (1.0 / np.sqrt(WIDE_IN))
    b_wide = jnp.zeros((WIDE_OUT,), dtype=jnp.float32)
    W1 = jax.random.normal(ks[4], (EMBED_DIM, HIDDEN1), dtype=jnp.float32) * (1.0 / np.sqrt(EMBED_DIM))
    b1 = jnp.zeros((HIDDEN1,), dtype=jnp.float32)
    W2 = jax.random.normal(ks[5], (HIDDEN1, HIDDEN2), dtype=jnp.float32) * (1.0 / np.sqrt(HIDDEN1))
    b2 = jnp.zeros((HIDDEN2,), dtype=jnp.float32)
    W3 = jax.random.normal(ks[6], (HIDDEN2, DEEP_OUT), dtype=jnp.float32) * (1.0 / np.sqrt(HIDDEN2))
    b3 = jnp.zeros((DEEP_OUT,), dtype=jnp.float32)
    return {"wide_input": wide_input, "deep_input": deep_input, "table": table,
            "W_wide": W_wide, "b_wide": b_wide, "W1": W1, "b1": b1,
            "W2": W2, "b2": b2, "W3": W3, "b3": b3}


def reference(wide_input, deep_input, table, W_wide, b_wide, W1, b1, W2, b2, W3, b3):
    # wide branch: single linear layer
    wide_out = wide_input @ W_wide + b_wide
    # deep branch: embedding lookup (SparseCore gather) then per-field MLP
    emb = jnp.take(table, deep_input, axis=0)  # [B, F, E]
    h = jax.nn.relu(emb @ W1 + b1)
    h = jax.nn.relu(h @ W2 + b2)
    deep_out = h @ W3 + b3  # [B, F, DEEP_OUT]
    return (wide_out, deep_out)

if __name__ == "__main__":
    import jax
    _d = setup_inputs()
    print(jax.jit(kernel)(*tuple(_d.values())))

</pallas_src>

<mosaic_0001>
#map = affine_map<(d0, d1) -> (0, 0)>
#map1 = affine_map<(d0, d1) -> (0)>
module attributes {stable_mosaic.version = 14 : i64} {
  func.func @k(%arg0: i32, %arg1: i32, %arg2: memref<1000000x128xf32, #tpu.memory_space<hbm>>, %arg3: memref<106496xi32, #tpu.memory_space<hbm>>, %arg4: memref<106496x32xf32, #tpu.memory_space<hbm>>, %arg5: memref<3328xi32, #tpu.memory_space<vmem>>, %arg6: memref<416x128xf32, #tpu.memory_space<vmem>>, %arg7: memref<416x128xf32, #tpu.memory_space<vmem>>, %arg8: memref<!tpu.dma_semaphore, #tpu.memory_space<semaphore_mem>>, %arg9: memref<!tpu.dma_semaphore, #tpu.memory_space<semaphore_mem>>) attributes {dimension_semantics = [#tpu.dimension_semantics<core_parallel>, #tpu.dimension_semantics<subcore_parallel>], iteration_bounds = array<i64: 2, 16>, scalar_prefetch = 0 : i64, scratch_operands = 5 : i64, tpu.core_type = #tpu.core_type<sc_vector_subcore>, window_params = [{transform_indices = #map}, {transform_indices = #map1}, {transform_indices = #map}]} {
    %mul3A = arith.constant 2 : i32
    %mul3A_0 = arith.muli %arg1, %mul3A : i32
    %add3A = arith.addi %mul3A_0, %arg0 : i32
    %mul3A_1 = arith.constant 3328 : i32
    %mul3A_2 = arith.muli %add3A, %mul3A_1 : i32
    "tpu.region"() ({
      %run_scoped3A = tpu.sem_alloc : memref<!tpu.dma_semaphore, #tpu.memory_space<semaphore_mem>>
      %dma_start3A_97 = tpu.memref_slice %arg3[%mul3A_2] : memref<106496xi32, #tpu.memory_space<hbm>> -> memref<3328xi32, #tpu.memory_space<hbm>>
      %dma_start3A_98 = tpu.memref_slice %arg3[%mul3A_2] : memref<106496xi32, #tpu.memory_space<hbm>> -> memref<3328xi32, #tpu.memory_space<hbm>>
      tpu.enqueue_dma source(%dma_start3A_98 : memref<3328xi32, #tpu.memory_space<hbm>>) target(%arg5 : memref<3328xi32, #tpu.memory_space<vmem>>) target_semaphore(%run_scoped3A : memref<!tpu.dma_semaphore, #tpu.memory_space<semaphore_mem>>)
      %dma_wait3A_99 = tpu.memref_slice %arg3[%mul3A_2] : memref<106496xi32, #tpu.memory_space<hbm>> -> memref<3328xi32, #tpu.memory_space<hbm>>
      %dma_wait3A_100 = tpu.memref_slice %arg3[%mul3A_2] : memref<106496xi32, #tpu.memory_space<hbm>> -> memref<3328xi32, #tpu.memory_space<hbm>>
      tpu.wait_dma2 semaphore(%run_scoped3A : memref<!tpu.dma_semaphore, #tpu.memory_space<semaphore_mem>>) src(%dma_wait3A_100 : memref<3328xi32, #tpu.memory_space<hbm>>) dst(%arg5 : memref<3328xi32, #tpu.memory_space<vmem>>)
      tpu.yield
    }) : () -> ()
    %dma_start3A = arith.constant 0 : i32
    %dma_start3A_3 = tpu.memref_slice %arg5[%dma_start3A] : memref<3328xi32, #tpu.memory_space<vmem>> -> memref<416xi32, #tpu.memory_space<vmem>>
    %dma_start3A_4 = arith.constant 0 : i32
    %dma_start3A_5 = arith.constant 0 : i32
    %dma_start3A_6 = tpu.memref_slice %arg2[%dma_start3A_4, %dma_start3A_5] : memref<1000000x128xf32, #tpu.memory_space<hbm>> -> memref<1000000x128xf32, #tpu.memory_space<hbm>>
    tpu.enqueue_indirect_dma source(%dma_start3A_6 : memref<1000000x128xf32, #tpu.memory_space<hbm>>) target(%arg6 : memref<416x128xf32, #tpu.memory_space<vmem>>) offsets(%dma_start3A_3 : memref<416xi32, #tpu.memory_space<vmem>>) semaphore(%arg8 : memref<!tpu.dma_semaphore, #tpu.memory_space<semaphore_mem>>)
    %dma_wait3A = arith.constant 0 : i32
    %dma_wait3A_7 = tpu.memref_slice %arg5[%dma_wait3A] : memref<3328xi32, #tpu.memory_space<vmem>> -> memref<416xi32, #tpu.memory_space<vmem>>
    %dma_wait3A_8 = arith.constant 0 : i32
    %dma_wait3A_9 = arith.constant 0 : i32
    %dma_wait3A_10 = tpu.memref_slice %arg2[%dma_wait3A_8, %dma_wait3A_9] : memref<1000000x128xf32, #tpu.memory_space<hbm>> -> memref<1000000x128xf32, #tpu.memory_space<hbm>>
    tpu.wait_indirect_dma semaphore(%arg8 : memref<!tpu.dma_semaphore, #tpu.memory_space<semaphore_mem>>) src(%dma_wait3A_10 : memref<1000000x128xf32, #tpu.memory_space<hbm>>) dst(%arg6 : memref<416x128xf32, #tpu.memory_space<vmem>>)
    %dma_start3A_11 = arith.constant 416 : i32
    %dma_start3A_12 = tpu.memref_slice %arg5[%dma_start3A_11] : memref<3328xi32, #tpu.memory_space<vmem>> -> memref<416xi32, #tpu.memory_space<vmem>>
    %dma_start3A_13 = arith.constant 0 : i32
    %dma_start3A_14 = arith.constant 0 : i32
    %dma_start3A_15 = tpu.memref_slice %arg2[%dma_start3A_13, %dma_start3A_14] : memref<1000000x128xf32, #tpu.memory_space<hbm>> -> memref<1000000x128xf32, #tpu.memory_space<hbm>>
    tpu.enqueue_indirect_dma source(%dma_start3A_15 : memref<1000000x128xf32, #tpu.memory_space<hbm>>) target(%arg7 : memref<416x128xf32, #tpu.memory_space<vmem>>) offsets(%dma_start3A_12 : memref<416xi32, #tpu.memory_space<vmem>>) semaphore(%arg9 : memref<!tpu.dma_semaphore, #tpu.memory_space<semaphore_mem>>)
    %add3A_16 = arith.constant 0 : i32
    %add3A_17 = arith.addi %mul3A_2, %add3A_16 : i32
    "tpu.region"() ({
      %run_scoped3A = tpu.sem_alloc : memref<!tpu.dma_semaphore, #tpu.memory_space<semaphore_mem>>
      %dma_start3A_97 = arith.constant 0 : i32
      %dma_start3A_98 = arith.constant 0 : i32
      %dma_start3A_99 = tpu.memref_slice %arg6[%dma_start3A_97, %dma_start3A_98] : memref<416x128xf32, #tpu.memory_space<vmem>> -> memref<416x32xf32, #tpu.memory_space<vmem>>
      %dma_start3A_100 = arith.constant 0 : i32
      %dma_start3A_101 = tpu.memref_slice %arg4[%add3A_17, %dma_start3A_100] : memref<106496x32xf32, #tpu.memory_space<hbm>> -> memref<416x32xf32, #tpu.memory_space<hbm>>
      %dma_start3A_102 = arith.constant 0 : i32
      %dma_start3A_103 = tpu.memref_slice %arg4[%add3A_17, %dma_start3A_102] : memref<106496x32xf32, #tpu.memory_space<hbm>> -> memref<416x32xf32, #tpu.memory_space<hbm>>
      %dma_start3A_104 = arith.constant 0 : i32
      %dma_start3A_105 = arith.constant 0 : i32
      %dma_start3A_106 = tpu.memref_slice %arg6[%dma_start3A_104, %dma_start3A_105] : memref<416x128xf32, #tpu.memory_space<vmem>> -> memref<416x32xf32, #tpu.memory_space<vmem>>
      tpu.enqueue_dma source(%dma_start3A_106 : memref<416x32xf32, #tpu.memory_space<vmem>>) target(%dma_start3A_103 : memref<416x32xf32, #tpu.memory_space<hbm>>) target_semaphore(%run_scoped3A : memref<!tpu.dma_semaphore, #tpu.memory_space<semaphore_mem>>)
      %dma_wait3A_107 = arith.constant 0 : i32
      %dma_wait3A_108 = arith.constant 0 : i32
      %dma_wait3A_109 = tpu.memref_slice %arg6[%dma_wait3A_107, %dma_wait3A_108] : memref<416x128xf32, #tpu.memory_space<vmem>> -> memref<416x32xf32, #tpu.memory_space<vmem>>
      %dma_wait3A_110 = arith.constant 0 : i32
      %dma_wait3A_111 = tpu.memref_slice %arg4[%add3A_17, %dma_wait3A_110] : memref<106496x32xf32, #tpu.memory_space<hbm>> -> memref<416x32xf32, #tpu.memory_space<hbm>>
      %dma_wait3A_112 = arith.constant 0 : i32
      %dma_wait3A_113 = tpu.memref_slice %arg4[%add3A_17, %dma_wait3A_112] : memref<106496x32xf32, #tpu.memory_space<hbm>> -> memref<416x32xf32, #tpu.memory_space<hbm>>
      %dma_wait3A_114 = arith.constant 0 : i32
      %dma_wait3A_115 = arith.constant 0 : i32
      %dma_wait3A_116 = tpu.memref_slice %arg6[%dma_wait3A_114, %dma_wait3A_115] : memref<416x128xf32, #tpu.memory_space<vmem>> -> memref<416x32xf32, #tpu.memory_space<vmem>>
      tpu.wait_dma2 semaphore(%run_scoped3A : memref<!tpu.dma_semaphore, #tpu.memory_space<semaphore_mem>>) src(%dma_wait3A_116 : memref<416x32xf32, #tpu.memory_space<vmem>>) dst(%dma_wait3A_113 : memref<416x32xf32, #tpu.memory_space<hbm>>)
      tpu.yield
    }) : () -> ()
    %dma_wait3A_18 = arith.constant 416 : i32
    %dma_wait3A_19 = tpu.memref_slice %arg5[%dma_wait3A_18] : memref<3328xi32, #tpu.memory_space<vmem>> -> memref<416xi32, #tpu.memory_space<vmem>>
    %dma_wait3A_20 = arith.constant 0 : i32
    %dma_wait3A_21 = arith.constant 0 : i32
    %dma_wait3A_22 = tpu.memref_slice %arg2[%dma_wait3A_20, %dma_wait3A_21] : memref<1000000x128xf32, #tpu.memory_space<hbm>> -> memref<1000000x128xf32, #tpu.memory_space<hbm>>
    tpu.wait_indirect_dma semaphore(%arg9 : memref<!tpu.dma_semaphore, #tpu.memory_space<semaphore_mem>>) src(%dma_wait3A_22 : memref<1000000x128xf32, #tpu.memory_space<hbm>>) dst(%arg7 : memref<416x128xf32, #tpu.memory_space<vmem>>)
    %dma_start3A_23 = arith.constant 832 : i32
    %dma_start3A_24 = tpu.memref_slice %arg5[%dma_start3A_23] : memref<3328xi32, #tpu.memory_space<vmem>> -> memref<416xi32, #tpu.memory_space<vmem>>
    %dma_start3A_25 = arith.constant 0 : i32
    %dma_start3A_26 = arith.constant 0 : i32
    %dma_start3A_27 = tpu.memref_slice %arg2[%dma_start3A_25, %dma_start3A_26] : memref<1000000x128xf32, #tpu.memory_space<hbm>> -> memref<1000000x128xf32, #tpu.memory_space<hbm>>
    tpu.enqueue_indirect_dma source(%dma_start3A_27 : memref<1000000x128xf32, #tpu.memory_space<hbm>>) target(%arg6 : memref<416x128xf32, #tpu.memory_space<vmem>>) offsets(%dma_start3A_24 : memref<416xi32, #tpu.memory_space<vmem>>) semaphore(%arg8 : memref<!tpu.dma_semaphore, #tpu.memory_space<semaphore_mem>>)
    %add3A_28 = arith.constant 416 : i32
    %add3A_29 = arith.addi %mul3A_2, %add3A_28 : i32
    "tpu.region"() ({
      %run_scoped3A = tpu.sem_alloc : memref<!tpu.dma_semaphore, #tpu.memory_space<semaphore_mem>>
      %dma_start3A_97 = arith.constant 0 : i32
      %dma_start3A_98 = arith.constant 0 : i32
      %dma_start3A_99 = tpu.memref_slice %arg7[%dma_start3A_97, %dma_start3A_98] : memref<416x128xf32, #tpu.memory_space<vmem>> -> memref<416x32xf32, #tpu.memory_space<vmem>>
      %dma_start3A_100 = arith.constant 0 : i32
      %dma_start3A_101 = tpu.memref_slice %arg4[%add3A_29, %dma_start3A_100] : memref<106496x32xf32, #tpu.memory_space<hbm>> -> memref<416x32xf32, #tpu.memory_space<hbm>>
      %dma_start3A_102 = arith.constant 0 : i32
      %dma_start3A_103 = tpu.memref_slice %arg4[%add3A_29, %dma_start3A_102] : memref<106496x32xf32, #tpu.memory_space<hbm>> -> memref<416x32xf32, #tpu.memory_space<hbm>>
      %dma_start3A_104 = arith.constant 0 : i32
      %dma_start3A_105 = arith.constant 0 : i32
      %dma_start3A_106 = tpu.memref_slice %arg7[%dma_start3A_104, %dma_start3A_105] : memref<416x128xf32, #tpu.memory_space<vmem>> -> memref<416x32xf32, #tpu.memory_space<vmem>>
      tpu.enqueue_dma source(%dma_start3A_106 : memref<416x32xf32, #tpu.memory_space<vmem>>) target(%dma_start3A_103 : memref<416x32xf32, #tpu.memory_space<hbm>>) target_semaphore(%run_scoped3A : memref<!tpu.dma_semaphore, #tpu.memory_space<semaphore_mem>>)
      %dma_wait3A_107 = arith.constant 0 : i32
      %dma_wait3A_108 = arith.constant 0 : i32
      %dma_wait3A_109 = tpu.memref_slice %arg7[%dma_wait3A_107, %dma_wait3A_108] : memref<416x128xf32, #tpu.memory_space<vmem>> -> memref<416x32xf32, #tpu.memory_space<vmem>>
      %dma_wait3A_110 = arith.constant 0 : i32
      %dma_wait3A_111 = tpu.memref_slice %arg4[%add3A_29, %dma_wait3A_110] : memref<106496x32xf32, #tpu.memory_space<hbm>> -> memref<416x32xf32, #tpu.memory_space<hbm>>
      %dma_wait3A_112 = arith.constant 0 : i32
      %dma_wait3A_113 = tpu.memref_slice %arg4[%add3A_29, %dma_wait3A_112] : memref<106496x32xf32, #tpu.memory_space<hbm>> -> memref<416x32xf32, #tpu.memory_space<hbm>>
      %dma_wait3A_114 = arith.constant 0 : i32
      %dma_wait3A_115 = arith.constant 0 : i32
      %dma_wait3A_116 = tpu.memref_slice %arg7[%dma_wait3A_114, %dma_wait3A_115] : memref<416x128xf32, #tpu.memory_space<vmem>> -> memref<416x32xf32, #tpu.memory_space<vmem>>
      tpu.wait_dma2 semaphore(%run_scoped3A : memref<!tpu.dma_semaphore, #tpu.memory_space<semaphore_mem>>) src(%dma_wait3A_116 : memref<416x32xf32, #tpu.memory_space<vmem>>) dst(%dma_wait3A_113 : memref<416x32xf32, #tpu.memory_space<hbm>>)
      tpu.yield
    }) : () -> ()
    %dma_wait3A_30 = arith.constant 832 : i32
    %dma_wait3A_31 = tpu.memref_slice %arg5[%dma_wait3A_30] : memref<3328xi32, #tpu.memory_space<vmem>> -> memref<416xi32, #tpu.memory_space<vmem>>
    %dma_wait3A_32 = arith.constant 0 : i32
    %dma_wait3A_33 = arith.constant 0 : i32
    %dma_wait3A_34 = tpu.memref_slice %arg2[%dma_wait3A_32, %dma_wait3A_33] : memref<1000000x128xf32, #tpu.memory_space<hbm>> -> memref<1000000x128xf32, #tpu.memory_space<hbm>>
    tpu.wait_indirect_dma semaphore(%arg8 : memref<!tpu.dma_semaphore, #tpu.memory_space<semaphore_mem>>) src(%dma_wait3A_34 : memref<1000000x128xf32, #tpu.memory_space<hbm>>) dst(%arg6 : memref<416x128xf32, #tpu.memory_space<vmem>>)
    %dma_start3A_35 = arith.constant 1248 : i32
    %dma_start3A_36 = tpu.memref_slice %arg5[%dma_start3A_35] : memref<3328xi32, #tpu.memory_space<vmem>> -> memref<416xi32, #tpu.memory_space<vmem>>
    %dma_start3A_37 = arith.constant 0 : i32
    %dma_start3A_38 = arith.constant 0 : i32
    %dma_start3A_39 = tpu.memref_slice %arg2[%dma_start3A_37, %dma_start3A_38] : memref<1000000x128xf32, #tpu.memory_space<hbm>> -> memref<1000000x128xf32, #tpu.memory_space<hbm>>
    tpu.enqueue_indirect_dma source(%dma_start3A_39 : memref<1000000x128xf32, #tpu.memory_space<hbm>>) target(%arg7 : memref<416x128xf32, #tpu.memory_space<vmem>>) offsets(%dma_start3A_36 : memref<416xi32, #tpu.memory_space<vmem>>) semaphore(%arg9 : memref<!tpu.dma_semaphore, #tpu.memory_space<semaphore_mem>>)
    %add3A_40 = arith.constant 832 : i32
    %add3A_41 = arith.addi %mul3A_2, %add3A_40 : i32
    "tpu.region"() ({
      %run_scoped3A = tpu.sem_alloc : memref<!tpu.dma_semaphore, #tpu.memory_space<semaphore_mem>>
      %dma_start3A_97 = arith.constant 0 : i32
      %dma_start3A_98 = arith.constant 0 : i32
      %dma_start3A_99 = tpu.memref_slice %arg6[%dma_start3A_97, %dma_start3A_98] : memref<416x128xf32, #tpu.memory_space<vmem>> -> memref<416x32xf32, #tpu.memory_space<vmem>>
      %dma_start3A_100 = arith.constant 0 : i32
      %dma_start3A_101 = tpu.memref_slice %arg4[%add3A_41, %dma_start3A_100] : memref<106496x32xf32, #tpu.memory_space<hbm>> -> memref<416x32xf32, #tpu.memory_space<hbm>>
      %dma_start3A_102 = arith.constant 0 : i32
      %dma_start3A_103 = tpu.memref_slice %arg4[%add3A_41, %dma_start3A_102] : memref<106496x32xf32, #tpu.memory_space<hbm>> -> memref<416x32xf32, #tpu.memory_space<hbm>>
      %dma_start3A_104 = arith.constant 0 : i32
      %dma_start3A_105 = arith.constant 0 : i32
      %dma_start3A_106 = tpu.memref_slice %arg6[%dma_start3A_104, %dma_start3A_105] : memref<416x128xf32, #tpu.memory_space<vmem>> -> memref<416x32xf32, #tpu.memory_space<vmem>>
      tpu.enqueue_dma source(%dma_start3A_106 : memref<416x32xf32, #tpu.memory_space<vmem>>) target(%dma_start3A_103 : memref<416x32xf32, #tpu.memory_space<hbm>>) target_semaphore(%run_scoped3A : memref<!tpu.dma_semaphore, #tpu.memory_space<semaphore_mem>>)
      %dma_wait3A_107 = arith.constant 0 : i32
      %dma_wait3A_108 = arith.constant 0 : i32
      %dma_wait3A_109 = tpu.memref_slice %arg6[%dma_wait3A_107, %dma_wait3A_108] : memref<416x128xf32, #tpu.memory_space<vmem>> -> memref<416x32xf32, #tpu.memory_space<vmem>>
      %dma_wait3A_110 = arith.constant 0 : i32
      %dma_wait3A_111 = tpu.memref_slice %arg4[%add3A_41, %dma_wait3A_110] : memref<106496x32xf32, #tpu.memory_space<hbm>> -> memref<416x32xf32, #tpu.memory_space<hbm>>
      %dma_wait3A_112 = arith.constant 0 : i32
      %dma_wait3A_113 = tpu.memref_slice %arg4[%add3A_41, %dma_wait3A_112] : memref<106496x32xf32, #tpu.memory_space<hbm>> -> memref<416x32xf32, #tpu.memory_space<hbm>>
      %dma_wait3A_114 = arith.constant 0 : i32
      %dma_wait3A_115 = arith.constant 0 : i32
      %dma_wait3A_116 = tpu.memref_slice %arg6[%dma_wait3A_114, %dma_wait3A_115] : memref<416x128xf32, #tpu.memory_space<vmem>> -> memref<416x32xf32, #tpu.memory_space<vmem>>
      tpu.wait_dma2 semaphore(%run_scoped3A : memref<!tpu.dma_semaphore, #tpu.memory_space<semaphore_mem>>) src(%dma_wait3A_116 : memref<416x32xf32, #tpu.memory_space<vmem>>) dst(%dma_wait3A_113 : memref<416x32xf32, #tpu.memory_space<hbm>>)
      tpu.yield
    }) : () -> ()
    %dma_wait3A_42 = arith.constant 1248 : i32
    %dma_wait3A_43 = tpu.memref_slice %arg5[%dma_wait3A_42] : memref<3328xi32, #tpu.memory_space<vmem>> -> memref<416xi32, #tpu.memory_space<vmem>>
    %dma_wait3A_44 = arith.constant 0 : i32
    %dma_wait3A_45 = arith.constant 0 : i32
    %dma_wait3A_46 = tpu.memref_slice %arg2[%dma_wait3A_44, %dma_wait3A_45] : memref<1000000x128xf32, #tpu.memory_space<hbm>> -> memref<1000000x128xf32, #tpu.memory_space<hbm>>
    tpu.wait_indirect_dma semaphore(%arg9 : memref<!tpu.dma_semaphore, #tpu.memory_space<semaphore_mem>>) src(%dma_wait3A_46 : memref<1000000x128xf32, #tpu.memory_space<hbm>>) dst(%arg7 : memref<416x128xf32, #tpu.memory_space<vmem>>)
    %dma_start3A_47 = arith.constant 1664 : i32
    %dma_start3A_48 = tpu.memref_slice %arg5[%dma_start3A_47] : memref<3328xi32, #tpu.memory_space<vmem>> -> memref<416xi32, #tpu.memory_space<vmem>>
    %dma_start3A_49 = arith.constant 0 : i32
    %dma_start3A_50 = arith.constant 0 : i32
    %dma_start3A_51 = tpu.memref_slice %arg2[%dma_start3A_49, %dma_start3A_50] : memref<1000000x128xf32, #tpu.memory_space<hbm>> -> memref<1000000x128xf32, #tpu.memory_space<hbm>>
    tpu.enqueue_indirect_dma source(%dma_start3A_51 : memref<1000000x128xf32, #tpu.memory_space<hbm>>) target(%arg6 : memref<416x128xf32, #tpu.memory_space<vmem>>) offsets(%dma_start3A_48 : memref<416xi32, #tpu.memory_space<vmem>>) semaphore(%arg8 : memref<!tpu.dma_semaphore, #tpu.memory_space<semaphore_mem>>)
    %add3A_52 = arith.constant 1248 : i32
    %add3A_53 = arith.addi %mul3A_2, %add3A_52 : i32
    "tpu.region"() ({
      %run_scoped3A = tpu.sem_alloc : memref<!tpu.dma_semaphore, #tpu.memory_space<semaphore_mem>>
      %dma_start3A_97 = arith.constant 0 : i32
      %dma_start3A_98 = arith.constant 0 : i32
      %dma_start3A_99 = tpu.memref_slice %arg7[%dma_start3A_97, %dma_start3A_98] : memref<416x128xf32, #tpu.memory_space<vmem>> -> memref<416x32xf32, #tpu.memory_space<vmem>>
      %dma_start3A_100 = arith.constant 0 : i32
      %dma_start3A_101 = tpu.memref_slice %arg4[%add3A_53, %dma_start3A_100] : memref<106496x32xf32, #tpu.memory_space<hbm>> -> memref<416x32xf32, #tpu.memory_space<hbm>>
      %dma_start3A_102 = arith.constant 0 : i32
      %dma_start3A_103 = tpu.memref_slice %arg4[%add3A_53, %dma_start3A_102] : memref<106496x32xf32, #tpu.memory_space<hbm>> -> memref<416x32xf32, #tpu.memory_space<hbm>>
      %dma_start3A_104 = arith.constant 0 : i32
      %dma_start3A_105 = arith.constant 0 : i32
      %dma_start3A_106 = tpu.memref_slice %arg7[%dma_start3A_104, %dma_start3A_105] : memref<416x128xf32, #tpu.memory_space<vmem>> -> memref<416x32xf32, #tpu.memory_space<vmem>>
      tpu.enqueue_dma source(%dma_start3A_106 : memref<416x32xf32, #tpu.memory_space<vmem>>) target(%dma_start3A_103 : memref<416x32xf32, #tpu.memory_space<hbm>>) target_semaphore(%run_scoped3A : memref<!tpu.dma_semaphore, #tpu.memory_space<semaphore_mem>>)
      %dma_wait3A_107 = arith.constant 0 : i32
      %dma_wait3A_108 = arith.constant 0 : i32
      %dma_wait3A_109 = tpu.memref_slice %arg7[%dma_wait3A_107, %dma_wait3A_108] : memref<416x128xf32, #tpu.memory_space<vmem>> -> memref<416x32xf32, #tpu.memory_space<vmem>>
      %dma_wait3A_110 = arith.constant 0 : i32
      %dma_wait3A_111 = tpu.memref_slice %arg4[%add3A_53, %dma_wait3A_110] : memref<106496x32xf32, #tpu.memory_space<hbm>> -> memref<416x32xf32, #tpu.memory_space<hbm>>
      %dma_wait3A_112 = arith.constant 0 : i32
      %dma_wait3A_113 = tpu.memref_slice %arg4[%add3A_53, %dma_wait3A_112] : memref<106496x32xf32, #tpu.memory_space<hbm>> -> memref<416x32xf32, #tpu.memory_space<hbm>>
      %dma_wait3A_114 = arith.constant 0 : i32
      %dma_wait3A_115 = arith.constant 0 : i32
      %dma_wait3A_116 = tpu.memref_slice %arg7[%dma_wait3A_114, %dma_wait3A_115] : memref<416x128xf32, #tpu.memory_space<vmem>> -> memref<416x32xf32, #tpu.memory_space<vmem>>
      tpu.wait_dma2 semaphore(%run_scoped3A : memref<!tpu.dma_semaphore, #tpu.memory_space<semaphore_mem>>) src(%dma_wait3A_116 : memref<416x32xf32, #tpu.memory_space<vmem>>) dst(%dma_wait3A_113 : memref<416x32xf32, #tpu.memory_space<hbm>>)
      tpu.yield
    }) : () -> ()
    %dma_wait3A_54 = arith.constant 1664 : i32
    %dma_wait3A_55 = tpu.memref_slice %arg5[%dma_wait3A_54] : memref<3328xi32, #tpu.memory_space<vmem>> -> memref<416xi32, #tpu.memory_space<vmem>>
    %dma_wait3A_56 = arith.constant 0 : i32
    %dma_wait3A_57 = arith.constant 0 : i32
    %dma_wait3A_58 = tpu.memref_slice %arg2[%dma_wait3A_56, %dma_wait3A_57] : memref<1000000x128xf32, #tpu.memory_space<hbm>> -> memref<1000000x128xf32, #tpu.memory_space<hbm>>
    tpu.wait_indirect_dma semaphore(%arg8 : memref<!tpu.dma_semaphore, #tpu.memory_space<semaphore_mem>>) src(%dma_wait3A_58 : memref<1000000x128xf32, #tpu.memory_space<hbm>>) dst(%arg6 : memref<416x128xf32, #tpu.memory_space<vmem>>)
    %dma_start3A_59 = arith.constant 2080 : i32
    %dma_start3A_60 = tpu.memref_slice %arg5[%dma_start3A_59] : memref<3328xi32, #tpu.memory_space<vmem>> -> memref<416xi32, #tpu.memory_space<vmem>>
    %dma_start3A_61 = arith.constant 0 : i32
    %dma_start3A_62 = arith.constant 0 : i32
    %dma_start3A_63 = tpu.memref_slice %arg2[%dma_start3A_61, %dma_start3A_62] : memref<1000000x128xf32, #tpu.memory_space<hbm>> -> memref<1000000x128xf32, #tpu.memory_space<hbm>>
    tpu.enqueue_indirect_dma source(%dma_start3A_63 : memref<1000000x128xf32, #tpu.memory_space<hbm>>) target(%arg7 : memref<416x128xf32, #tpu.memory_space<vmem>>) offsets(%dma_start3A_60 : memref<416xi32, #tpu.memory_space<vmem>>) semaphore(%arg9 : memref<!tpu.dma_semaphore, #tpu.memory_space<semaphore_mem>>)
    %add3A_64 = arith.constant 1664 : i32
    %add3A_65 = arith.addi %mul3A_2, %add3A_64 : i32
    "tpu.region"() ({
      %run_scoped3A = tpu.sem_alloc : memref<!tpu.dma_semaphore, #tpu.memory_space<semaphore_mem>>
      %dma_start3A_97 = arith.constant 0 : i32
      %dma_start3A_98 = arith.constant 0 : i32
      %dma_start3A_99 = tpu.memref_slice %arg6[%dma_start3A_97, %dma_start3A_98] : memref<416x128xf32, #tpu.memory_space<vmem>> -> memref<416x32xf32, #tpu.memory_space<vmem>>
      %dma_start3A_100 = arith.constant 0 : i32
      %dma_start3A_101 = tpu.memref_slice %arg4[%add3A_65, %dma_start3A_100] : memref<106496x32xf32, #tpu.memory_space<hbm>> -> memref<416x32xf32, #tpu.memory_space<hbm>>
      %dma_start3A_102 = arith.constant 0 : i32
      %dma_start3A_103 = tpu.memref_slice %arg4[%add3A_65, %dma_start3A_102] : memref<106496x32xf32, #tpu.memory_space<hbm>> -> memref<416x32xf32, #tpu.memory_space<hbm>>
      %dma_start3A_104 = arith.constant 0 : i32
      %dma_start3A_105 = arith.constant 0 : i32
      %dma_start3A_106 = tpu.memref_slice %arg6[%dma_start3A_104, %dma_start3A_105] : memref<416x128xf32, #tpu.memory_space<vmem>> -> memref<416x32xf32, #tpu.memory_space<vmem>>
      tpu.enqueue_dma source(%dma_start3A_106 : memref<416x32xf32, #tpu.memory_space<vmem>>) target(%dma_start3A_103 : memref<416x32xf32, #tpu.memory_space<hbm>>) target_semaphore(%run_scoped3A : memref<!tpu.dma_semaphore, #tpu.memory_space<semaphore_mem>>)
      %dma_wait3A_107 = arith.constant 0 : i32
      %dma_wait3A_108 = arith.constant 0 : i32
      %dma_wait3A_109 = tpu.memref_slice %arg6[%dma_wait3A_107, %dma_wait3A_108] : memref<416x128xf32, #tpu.memory_space<vmem>> -> memref<416x32xf32, #tpu.memory_space<vmem>>
      %dma_wait3A_110 = arith.constant 0 : i32
      %dma_wait3A_111 = tpu.memref_slice %arg4[%add3A_65, %dma_wait3A_110] : memref<106496x32xf32, #tpu.memory_space<hbm>> -> memref<416x32xf32, #tpu.memory_space<hbm>>
      %dma_wait3A_112 = arith.constant 0 : i32
      %dma_wait3A_113 = tpu.memref_slice %arg4[%add3A_65, %dma_wait3A_112] : memref<106496x32xf32, #tpu.memory_space<hbm>> -> memref<416x32xf32, #tpu.memory_space<hbm>>
      %dma_wait3A_114 = arith.constant 0 : i32
      %dma_wait3A_115 = arith.constant 0 : i32
      %dma_wait3A_116 = tpu.memref_slice %arg6[%dma_wait3A_114, %dma_wait3A_115] : memref<416x128xf32, #tpu.memory_space<vmem>> -> memref<416x32xf32, #tpu.memory_space<vmem>>
      tpu.wait_dma2 semaphore(%run_scoped3A : memref<!tpu.dma_semaphore, #tpu.memory_space<semaphore_mem>>) src(%dma_wait3A_116 : memref<416x32xf32, #tpu.memory_space<vmem>>) dst(%dma_wait3A_113 : memref<416x32xf32, #tpu.memory_space<hbm>>)
      tpu.yield
    }) : () -> ()
    %dma_wait3A_66 = arith.constant 2080 : i32
    %dma_wait3A_67 = tpu.memref_slice %arg5[%dma_wait3A_66] : memref<3328xi32, #tpu.memory_space<vmem>> -> memref<416xi32, #tpu.memory_space<vmem>>
    %dma_wait3A_68 = arith.constant 0 : i32
    %dma_wait3A_69 = arith.constant 0 : i32
    %dma_wait3A_70 = tpu.memref_slice %arg2[%dma_wait3A_68, %dma_wait3A_69] : memref<1000000x128xf32, #tpu.memory_space<hbm>> -> memref<1000000x128xf32, #tpu.memory_space<hbm>>
    tpu.wait_indirect_dma semaphore(%arg9 : memref<!tpu.dma_semaphore, #tpu.memory_space<semaphore_mem>>) src(%dma_wait3A_70 : memref<1000000x128xf32, #tpu.memory_space<hbm>>) dst(%arg7 : memref<416x128xf32, #tpu.memory_space<vmem>>)
    %dma_start3A_71 = arith.constant 2496 : i32
    %dma_start3A_72 = tpu.memref_slice %arg5[%dma_start3A_71] : memref<3328xi32, #tpu.memory_space<vmem>> -> memref<416xi32, #tpu.memory_space<vmem>>
    %dma_start3A_73 = arith.constant 0 : i32
    %dma_start3A_74 = arith.constant 0 : i32
    %dma_start3A_75 = tpu.memref_slice %arg2[%dma_start3A_73, %dma_start3A_74] : memref<1000000x128xf32, #tpu.memory_space<hbm>> -> memref<1000000x128xf32, #tpu.memory_space<hbm>>
    tpu.enqueue_indirect_dma source(%dma_start3A_75 : memref<1000000x128xf32, #tpu.memory_space<hbm>>) target(%arg6 : memref<416x128xf32, #tpu.memory_space<vmem>>) offsets(%dma_start3A_72 : memref<416xi32, #tpu.memory_space<vmem>>) semaphore(%arg8 : memref<!tpu.dma_semaphore, #tpu.memory_space<semaphore_mem>>)
    %add3A_76 = arith.constant 2080 : i32
    %add3A_77 = arith.addi %mul3A_2, %add3A_76 : i32
    "tpu.region"() ({
      %run_scoped3A = tpu.sem_alloc : memref<!tpu.dma_semaphore, #tpu.memory_space<semaphore_mem>>
      %dma_start3A_97 = arith.constant 0 : i32
      %dma_start3A_98 = arith.constant 0 : i32
      %dma_start3A_99 = tpu.memref_slice %arg7[%dma_start3A_97, %dma_start3A_98] : memref<416x128xf32, #tpu.memory_space<vmem>> -> memref<416x32xf32, #tpu.memory_space<vmem>>
      %dma_start3A_100 = arith.constant 0 : i32
      %dma_start3A_101 = tpu.memref_slice %arg4[%add3A_77, %dma_start3A_100] : memref<106496x32xf32, #tpu.memory_space<hbm>> -> memref<416x32xf32, #tpu.memory_space<hbm>>
      %dma_start3A_102 = arith.constant 0 : i32
      %dma_start3A_103 = tpu.memref_slice %arg4[%add3A_77, %dma_start3A_102] : memref<106496x32xf32, #tpu.memory_space<hbm>> -> memref<416x32xf32, #tpu.memory_space<hbm>>
      %dma_start3A_104 = arith.constant 0 : i32
      %dma_start3A_105 = arith.constant 0 : i32
      %dma_start3A_106 = tpu.memref_slice %arg7[%dma_start3A_104, %dma_start3A_105] : memref<416x128xf32, #tpu.memory_space<vmem>> -> memref<416x32xf32, #tpu.memory_space<vmem>>
      tpu.enqueue_dma source(%dma_start3A_106 : memref<416x32xf32, #tpu.memory_space<vmem>>) target(%dma_start3A_103 : memref<416x32xf32, #tpu.memory_space<hbm>>) target_semaphore(%run_scoped3A : memref<!tpu.dma_semaphore, #tpu.memory_space<semaphore_mem>>)
      %dma_wait3A_107 = arith.constant 0 : i32
      %dma_wait3A_108 = arith.constant 0 : i32
      %dma_wait3A_109 = tpu.memref_slice %arg7[%dma_wait3A_107, %dma_wait3A_108] : memref<416x128xf32, #tpu.memory_space<vmem>> -> memref<416x32xf32, #tpu.memory_space<vmem>>
      %dma_wait3A_110 = arith.constant 0 : i32
      %dma_wait3A_111 = tpu.memref_slice %arg4[%add3A_77, %dma_wait3A_110] : memref<106496x32xf32, #tpu.memory_space<hbm>> -> memref<416x32xf32, #tpu.memory_space<hbm>>
      %dma_wait3A_112 = arith.constant 0 : i32
      %dma_wait3A_113 = tpu.memref_slice %arg4[%add3A_77, %dma_wait3A_112] : memref<106496x32xf32, #tpu.memory_space<hbm>> -> memref<416x32xf32, #tpu.memory_space<hbm>>
      %dma_wait3A_114 = arith.constant 0 : i32
      %dma_wait3A_115 = arith.constant 0 : i32
      %dma_wait3A_116 = tpu.memref_slice %arg7[%dma_wait3A_114, %dma_wait3A_115] : memref<416x128xf32, #tpu.memory_space<vmem>> -> memref<416x32xf32, #tpu.memory_space<vmem>>
      tpu.wait_dma2 semaphore(%run_scoped3A : memref<!tpu.dma_semaphore, #tpu.memory_space<semaphore_mem>>) src(%dma_wait3A_116 : memref<416x32xf32, #tpu.memory_space<vmem>>) dst(%dma_wait3A_113 : memref<416x32xf32, #tpu.memory_space<hbm>>)
      tpu.yield
    }) : () -> ()
    %dma_wait3A_78 = arith.constant 2496 : i32
    %dma_wait3A_79 = tpu.memref_slice %arg5[%dma_wait3A_78] : memref<3328xi32, #tpu.memory_space<vmem>> -> memref<416xi32, #tpu.memory_space<vmem>>
    %dma_wait3A_80 = arith.constant 0 : i32
    %dma_wait3A_81 = arith.constant 0 : i32
    %dma_wait3A_82 = tpu.memref_slice %arg2[%dma_wait3A_80, %dma_wait3A_81] : memref<1000000x128xf32, #tpu.memory_space<hbm>> -> memref<1000000x128xf32, #tpu.memory_space<hbm>>
    tpu.wait_indirect_dma semaphore(%arg8 : memref<!tpu.dma_semaphore, #tpu.memory_space<semaphore_mem>>) src(%dma_wait3A_82 : memref<1000000x128xf32, #tpu.memory_space<hbm>>) dst(%arg6 : memref<416x128xf32, #tpu.memory_space<vmem>>)
    %dma_start3A_83 = arith.constant 2912 : i32
    %dma_start3A_84 = tpu.memref_slice %arg5[%dma_start3A_83] : memref<3328xi32, #tpu.memory_space<vmem>> -> memref<416xi32, #tpu.memory_space<vmem>>
    %dma_start3A_85 = arith.constant 0 : i32
    %dma_start3A_86 = arith.constant 0 : i32
    %dma_start3A_87 = tpu.memref_slice %arg2[%dma_start3A_85, %dma_start3A_86] : memref<1000000x128xf32, #tpu.memory_space<hbm>> -> memref<1000000x128xf32, #tpu.memory_space<hbm>>
    tpu.enqueue_indirect_dma source(%dma_start3A_87 : memref<1000000x128xf32, #tpu.memory_space<hbm>>) target(%arg7 : memref<416x128xf32, #tpu.memory_space<vmem>>) offsets(%dma_start3A_84 : memref<416xi32, #tpu.memory_space<vmem>>) semaphore(%arg9 : memref<!tpu.dma_semaphore, #tpu.memory_space<semaphore_mem>>)
    %add3A_88 = arith.constant 2496 : i32
    %add3A_89 = arith.addi %mul3A_2, %add3A_88 : i32
    "tpu.region"() ({
      %run_scoped3A = tpu.sem_alloc : memref<!tpu.dma_semaphore, #tpu.memory_space<semaphore_mem>>
      %dma_start3A_97 = arith.constant 0 : i32
      %dma_start3A_98 = arith.constant 0 : i32
      %dma_start3A_99 = tpu.memref_slice %arg6[%dma_start3A_97, %dma_start3A_98] : memref<416x128xf32, #tpu.memory_space<vmem>> -> memref<416x32xf32, #tpu.memory_space<vmem>>
      %dma_start3A_100 = arith.constant 0 : i32
      %dma_start3A_101 = tpu.memref_slice %arg4[%add3A_89, %dma_start3A_100] : memref<106496x32xf32, #tpu.memory_space<hbm>> -> memref<416x32xf32, #tpu.memory_space<hbm>>
      %dma_start3A_102 = arith.constant 0 : i32
      %dma_start3A_103 = tpu.memref_slice %arg4[%add3A_89, %dma_start3A_102] : memref<106496x32xf32, #tpu.memory_space<hbm>> -> memref<416x32xf32, #tpu.memory_space<hbm>>
      %dma_start3A_104 = arith.constant 0 : i32
      %dma_start3A_105 = arith.constant 0 : i32
      %dma_start3A_106 = tpu.memref_slice %arg6[%dma_start3A_104, %dma_start3A_105] : memref<416x128xf32, #tpu.memory_space<vmem>> -> memref<416x32xf32, #tpu.memory_space<vmem>>
      tpu.enqueue_dma source(%dma_start3A_106 : memref<416x32xf32, #tpu.memory_space<vmem>>) target(%dma_start3A_103 : memref<416x32xf32, #tpu.memory_space<hbm>>) target_semaphore(%run_scoped3A : memref<!tpu.dma_semaphore, #tpu.memory_space<semaphore_mem>>)
      %dma_wait3A_107 = arith.constant 0 : i32
      %dma_wait3A_108 = arith.constant 0 : i32
      %dma_wait3A_109 = tpu.memref_slice %arg6[%dma_wait3A_107, %dma_wait3A_108] : memref<416x128xf32, #tpu.memory_space<vmem>> -> memref<416x32xf32, #tpu.memory_space<vmem>>
      %dma_wait3A_110 = arith.constant 0 : i32
      %dma_wait3A_111 = tpu.memref_slice %arg4[%add3A_89, %dma_wait3A_110] : memref<106496x32xf32, #tpu.memory_space<hbm>> -> memref<416x32xf32, #tpu.memory_space<hbm>>
      %dma_wait3A_112 = arith.constant 0 : i32
      %dma_wait3A_113 = tpu.memref_slice %arg4[%add3A_89, %dma_wait3A_112] : memref<106496x32xf32, #tpu.memory_space<hbm>> -> memref<416x32xf32, #tpu.memory_space<hbm>>
      %dma_wait3A_114 = arith.constant 0 : i32
      %dma_wait3A_115 = arith.constant 0 : i32
      %dma_wait3A_116 = tpu.memref_slice %arg6[%dma_wait3A_114, %dma_wait3A_115] : memref<416x128xf32, #tpu.memory_space<vmem>> -> memref<416x32xf32, #tpu.memory_space<vmem>>
      tpu.wait_dma2 semaphore(%run_scoped3A : memref<!tpu.dma_semaphore, #tpu.memory_space<semaphore_mem>>) src(%dma_wait3A_116 : memref<416x32xf32, #tpu.memory_space<vmem>>) dst(%dma_wait3A_113 : memref<416x32xf32, #tpu.memory_space<hbm>>)
      tpu.yield
    }) : () -> ()
    %dma_wait3A_90 = arith.constant 2912 : i32
    %dma_wait3A_91 = tpu.memref_slice %arg5[%dma_wait3A_90] : memref<3328xi32, #tpu.memory_space<vmem>> -> memref<416xi32, #tpu.memory_space<vmem>>
    %dma_wait3A_92 = arith.constant 0 : i32
    %dma_wait3A_93 = arith.constant 0 : i32
    %dma_wait3A_94 = tpu.memref_slice %arg2[%dma_wait3A_92, %dma_wait3A_93] : memref<1000000x128xf32, #tpu.memory_space<hbm>> -> memref<1000000x128xf32, #tpu.memory_space<hbm>>
    tpu.wait_indirect_dma semaphore(%arg9 : memref<!tpu.dma_semaphore, #tpu.memory_space<semaphore_mem>>) src(%dma_wait3A_94 : memref<1000000x128xf32, #tpu.memory_space<hbm>>) dst(%arg7 : memref<416x128xf32, #tpu.memory_space<vmem>>)
    %add3A_95 = arith.constant 2912 : i32
    %add3A_96 = arith.addi %mul3A_2, %add3A_95 : i32
    "tpu.region"() ({
      %run_scoped3A = tpu.sem_alloc : memref<!tpu.dma_semaphore, #tpu.memory_space<semaphore_mem>>
      %dma_start3A_97 = arith.constant 0 : i32
      %dma_start3A_98 = arith.constant 0 : i32
      %dma_start3A_99 = tpu.memref_slice %arg7[%dma_start3A_97, %dma_start3A_98] : memref<416x128xf32, #tpu.memory_space<vmem>> -> memref<416x32xf32, #tpu.memory_space<vmem>>
      %dma_start3A_100 = arith.constant 0 : i32
      %dma_start3A_101 = tpu.memref_slice %arg4[%add3A_96, %dma_start3A_100] : memref<106496x32xf32, #tpu.memory_space<hbm>> -> memref<416x32xf32, #tpu.memory_space<hbm>>
      %dma_start3A_102 = arith.constant 0 : i32
      %dma_start3A_103 = tpu.memref_slice %arg4[%add3A_96, %dma_start3A_102] : memref<106496x32xf32, #tpu.memory_space<hbm>> -> memref<416x32xf32, #tpu.memory_space<hbm>>
      %dma_start3A_104 = arith.constant 0 : i32
      %dma_start3A_105 = arith.constant 0 : i32
      %dma_start3A_106 = tpu.memref_slice %arg7[%dma_start3A_104, %dma_start3A_105] : memref<416x128xf32, #tpu.memory_space<vmem>> -> memref<416x32xf32, #tpu.memory_space<vmem>>
      tpu.enqueue_dma source(%dma_start3A_106 : memref<416x32xf32, #tpu.memory_space<vmem>>) target(%dma_start3A_103 : memref<416x32xf32, #tpu.memory_space<hbm>>) target_semaphore(%run_scoped3A : memref<!tpu.dma_semaphore, #tpu.memory_space<semaphore_mem>>)
      %dma_wait3A_107 = arith.constant 0 : i32
      %dma_wait3A_108 = arith.constant 0 : i32
      %dma_wait3A_109 = tpu.memref_slice %arg7[%dma_wait3A_107, %dma_wait3A_108] : memref<416x128xf32, #tpu.memory_space<vmem>> -> memref<416x32xf32, #tpu.memory_space<vmem>>
      %dma_wait3A_110 = arith.constant 0 : i32
      %dma_wait3A_111 = tpu.memref_slice %arg4[%add3A_96, %dma_wait3A_110] : memref<106496x32xf32, #tpu.memory_space<hbm>> -> memref<416x32xf32, #tpu.memory_space<hbm>>
      %dma_wait3A_112 = arith.constant 0 : i32
      %dma_wait3A_113 = tpu.memref_slice %arg4[%add3A_96, %dma_wait3A_112] : memref<106496x32xf32, #tpu.memory_space<hbm>> -> memref<416x32xf32, #tpu.memory_space<hbm>>
      %dma_wait3A_114 = arith.constant 0 : i32
      %dma_wait3A_115 = arith.constant 0 : i32
      %dma_wait3A_116 = tpu.memref_slice %arg7[%dma_wait3A_114, %dma_wait3A_115] : memref<416x128xf32, #tpu.memory_space<vmem>> -> memref<416x32xf32, #tpu.memory_space<vmem>>
      tpu.wait_dma2 semaphore(%run_scoped3A : memref<!tpu.dma_semaphore, #tpu.memory_space<semaphore_mem>>) src(%dma_wait3A_116 : memref<416x32xf32, #tpu.memory_space<vmem>>) dst(%dma_wait3A_113 : memref<416x32xf32, #tpu.memory_space<hbm>>)
      tpu.yield
    }) : () -> ()
    return
  }
}

module attributes {stable_mosaic.version = 14 : i64} {
  func.func @_pack_body(%arg0: i32, %arg1: memref<32x16384xf32, #tpu.memory_space<vmem>>, %arg2: memref<16384x128xf32, #tpu.memory_space<vmem>>) attributes {dimension_semantics = [#tpu.dimension_semantics<arbitrary>], iteration_bounds = array<i64: 62>, scalar_prefetch = 0 : i64, scratch_operands = 0 : i64, tpu.core_type = #tpu.core_type<tc>, window_params = [{transform_indices = @transform_0, window_bounds = array<i64: 32, 16384>}, {transform_indices = @transform_1, window_bounds = array<i64: 16384, 128>}]} {
    %iota3A = tpu.iota {dimensions = array<i32: 0>} : vector<32x32xi32>
    %iota3A_0 = tpu.iota {dimensions = array<i32: 1>} : vector<32x32xi32>
    %add3A = arith.constant 0 : i32
    %add3A_1 = vector.broadcast %add3A : i32 to vector<32x32xi32>
    %add3A_2 = arith.addi %iota3A, %add3A_1 : vector<32x32xi32>
    %eq3A = arith.cmpi eq, %add3A_2, %iota3A_0 : vector<32x32xi32>
    %convert_element_type3A = arith.extui %eq3A : vector<32x32xi1> to vector<32x32xi32>
    %convert_element_type3A_3 = arith.sitofp %convert_element_type3A : vector<32x32xi32> to vector<32x32xf32>
    %broadcast_in_dim3A = arith.constant 0.000000e+00 : f32
    %broadcast_in_dim3A_4 = vector.broadcast %broadcast_in_dim3A : f32 to vector<32x96xf32>
    %concatenate3A = tpu.concatenate %convert_element_type3A_3, %broadcast_in_dim3A_4 in 1 : vector<32x32xf32>, vector<32x96xf32> -> vector<32x128xf32>
    %get3A = arith.constant 0 : index
    %get3A_5 = arith.constant 0 : index
    %get3A_6 = vector.load %arg1[%get3A, %get3A_5] : memref<32x16384xf32, #tpu.memory_space<vmem>>, vector<32x16384xf32>
    %dot_general3A = arith.constant dense<0.000000e+00> : vector<16384x128xf32>
    %dot_general3A_7 = tpu.matmul %get3A_6, %concatenate3A, %dot_general3A {dimension_numbers = #tpu.dot_dimension_numbers<[0], [0], [1], [1], [0, 1, 1, 1], [], []>, transpose_lhs_hint = false} : vector<32x16384xf32>, vector<32x128xf32>, vector<16384x128xf32> -> vector<16384x128xf32>
    %swap3A = arith.constant 0 : index
    %swap3A_8 = arith.constant 0 : index
    %swap3A_9 = vector.load %arg2[%swap3A, %swap3A_8] : memref<16384x128xf32, #tpu.memory_space<vmem>>, vector<16384x128xf32>
    tpu.vector_store %arg2[%swap3A, %swap3A_8], %dot_general3A_7 {strides = array<i32>} : memref<16384x128xf32, #tpu.memory_space<vmem>>, vector<16384x128xf32>,
    return
  }
  func.func @transform_0(%arg0: i32) -> (i32, i32) {
    %c0_i32 = arith.constant 0 : i32
    %c0_i32_0 = arith.constant 0 : i32
    return %c0_i32, %arg0 : i32, i32
  }
  func.func @transform_1(%arg0: i32) -> (i32, i32) {
    %c0_i32 = arith.constant 0 : i32
    %c0_i32_0 = arith.constant 0 : i32
    return %arg0, %c0_i32 : i32, i32
  }
}

module attributes {stable_mosaic.version = 14 : i64} {
  func.func @_wide_body(%arg0: i32, %arg1: memref<512x1024xf32, #tpu.memory_space<vmem>>, %arg2: memref<1024x64xf32, #tpu.memory_space<vmem>>, %arg3: memref<1x64xf32, #tpu.memory_space<vmem>>, %arg4: memref<64x512xf32, #tpu.memory_space<vmem>>) attributes {dimension_semantics = [#tpu.dimension_semantics<arbitrary>], iteration_bounds = array<i64: 8>, scalar_prefetch = 0 : i64, scratch_operands = 0 : i64, tpu.core_type = #tpu.core_type<tc>, window_params = [{transform_indices = @transform_0, window_bounds = array<i64: 512, 1024>}, {pipeline_mode = #tpu.pipeline_mode<synchronous>, transform_indices = @transform_1, window_bounds = array<i64: 1024, 64>}, {pipeline_mode = #tpu.pipeline_mode<synchronous>, transform_indices = @transform_2, window_bounds = array<i64: 1, 64>}, {transform_indices = @transform_3, window_bounds = array<i64: 64, 512>}]} {
    %get3A = arith.constant 0 : index
    %get3A_0 = arith.constant 0 : index
    %get3A_1 = vector.load %arg1[%get3A, %get3A_0] : memref<512x1024xf32, #tpu.memory_space<vmem>>, vector<512x1024xf32>
    %get3A_2 = arith.constant 0 : index
    %get3A_3 = arith.constant 0 : index
    %get3A_4 = vector.load %arg2[%get3A_2, %get3A_3] : memref<1024x64xf32, #tpu.memory_space<vmem>>, vector<1024x64xf32>
    %dot_general3A = arith.constant dense<0.000000e+00> : vector<512x64xf32>
    %dot_general3A_5 = tpu.matmul %get3A_1, %get3A_4, %dot_general3A {dimension_numbers = #tpu.dot_dimension_numbers<[1], [0], [0], [1], [0, 0, 1, 1], [], []>, transpose_lhs_hint = false} : vector<512x1024xf32>, vector<1024x64xf32>, vector<512x64xf32> -> vector<512x64xf32>
    %get3A_6 = arith.constant 0 : index
    %get3A_7 = arith.constant 0 : index
    %get3A_8 = vector.load %arg3[%get3A_6, %get3A_7] : memref<1x64xf32, #tpu.memory_space<vmem>>, vector<1x64xf32>
    %add3A = vector.broadcast %get3A_8 : vector<1x64xf32> to vector<512x64xf32>
    %add3A_9 = arith.addf %dot_general3A_5, %add3A : vector<512x64xf32>
    %transpose3A = tpu.transpose %add3A_9, [1, 0] : vector<512x64xf32> -> vector<64x512xf32>
    %swap3A = arith.constant 0 : index
    %swap3A_10 = arith.constant 0 : index
    %swap3A_11 = vector.load %arg4[%swap3A, %swap3A_10] : memref<64x512xf32, #tpu.memory_space<vmem>>, vector<64x512xf32>
    tpu.vector_store %arg4[%swap3A, %swap3A_10], %transpose3A {strides = array<i32>} : memref<64x512xf32, #tpu.memory_space<vmem>>, vector<64x512xf32>,
    return
  }
  func.func @transform_0(%arg0: i32) -> (i32, i32) {
    %c0_i32 = arith.constant 0 : i32
    %c0_i32_0 = arith.constant 0 : i32
    return %arg0, %c0_i32 : i32, i32
  }
  func.func @transform_1(%arg0: i32) -> (i32, i32) {
    %c0_i32 = arith.constant 0 : i32
    %c0_i32_0 = arith.constant 0 : i32
    %c0_i32_1 = arith.constant 0 : i32
    return %c0_i32, %c0_i32_0 : i32, i32
  }
  func.func @transform_2(%arg0: i32) -> (i32, i32) {
    %c0_i32 = arith.constant 0 : i32
    %c0_i32_0 = arith.constant 0 : i32
    %c0_i32_1 = arith.constant 0 : i32
    return %c0_i32, %c0_i32_0 : i32, i32
  }
  func.func @transform_3(%arg0: i32) -> (i32, i32) {
    %c0_i32 = arith.constant 0 : i32
    %c0_i32_0 = arith.constant 0 : i32
    return %c0_i32, %arg0 : i32, i32
  }
}

module attributes {stable_mosaic.version = 14 : i64} {
  func.func @_mlp_body(%arg0: i32, %arg1: memref<2048x128xf32, #tpu.memory_space<vmem>>, %arg2: memref<32x256xf32, #tpu.memory_space<vmem>>, %arg3: memref<1x256xf32, #tpu.memory_space<vmem>>, %arg4: memref<256x128xf32, #tpu.memory_space<vmem>>, %arg5: memref<1x128xf32, #tpu.memory_space<vmem>>, %arg6: memref<128x64xf32, #tpu.memory_space<vmem>>, %arg7: memref<1x64xf32, #tpu.memory_space<vmem>>, %arg8: memref<2x64x4096xf32, #tpu.memory_space<vmem>>) attributes {dimension_semantics = [#tpu.dimension_semantics<arbitrary>], iteration_bounds = array<i64: 13>, scalar_prefetch = 0 : i64, scratch_operands = 0 : i64, tpu.core_type = #tpu.core_type<tc>, window_params = [{transform_indices = @transform_0, window_bounds = array<i64: 2048, 128>}, {pipeline_mode = #tpu.pipeline_mode<synchronous>, transform_indices = @transform_1, window_bounds = array<i64: 32, 256>}, {pipeline_mode = #tpu.pipeline_mode<synchronous>, transform_indices = @transform_2, window_bounds = array<i64: 1, 256>}, {pipeline_mode = #tpu.pipeline_mode<synchronous>, transform_indices = @transform_3, window_bounds = array<i64: 256, 128>}, {pipeline_mode = #tpu.pipeline_mode<synchronous>, transform_indices = @transform_4, window_bounds = array<i64: 1, 128>}, {pipeline_mode = #tpu.pipeline_mode<synchronous>, transform_indices = @transform_5, window_bounds = array<i64: 128, 64>}, {pipeline_mode = #tpu.pipeline_mode<synchronous>, transform_indices = @transform_6, window_bounds = array<i64: 1, 64>}, {transform_indices = @transform_7, window_bounds = array<i64: 2, 64, 4096>}]} {
    %get3A = arith.constant 0 : index
    %get3A_0 = arith.constant 0 : index
    %get3A_1 = vector.load %arg2[%get3A, %get3A_0] : memref<32x256xf32, #tpu.memory_space<vmem>>, vector<32x256xf32>
    %convert_element_type3A = arith.truncf %get3A_1 : vector<32x256xf32> to vector<32x256xbf16>
    %get3A_2 = arith.constant 0 : index
    %get3A_3 = arith.constant 0 : index
    %get3A_4 = vector.load %arg4[%get3A_2, %get3A_3] : memref<256x128xf32, #tpu.memory_space<vmem>>, vector<256x128xf32>
    %convert_element_type3A_5 = arith.truncf %get3A_4 : vector<256x128xf32> to vector<256x128xbf16>
    %get3A_6 = arith.constant 0 : index
    %get3A_7 = arith.constant 0 : index
    %get3A_8 = vector.load %arg6[%get3A_6, %get3A_7] : memref<128x64xf32, #tpu.memory_space<vmem>>, vector<128x64xf32>
    %convert_element_type3A_9 = arith.truncf %get3A_8 : vector<128x64xf32> to vector<128x64xbf16>
    %get3A_10 = arith.constant 0 : index
    %get3A_11 = arith.constant 0 : index
    %get3A_12 = vector.load %arg1[%get3A_10, %get3A_11] : memref<2048x128xf32, #tpu.memory_space<vmem>>, vector<2048x32xf32>
    %convert_element_type3A_13 = arith.truncf %get3A_12 : vector<2048x32xf32> to vector<2048x32xbf16>
    %dot_general3A = arith.constant dense<0.000000e+00> : vector<2048x256xf32>
    %dot_general3A_14 = tpu.matmul %convert_element_type3A_13, %convert_element_type3A, %dot_general3A {dimension_numbers = #tpu.dot_dimension_numbers<[1], [0], [0], [1], [0, 0, 1, 1], [], []>, transpose_lhs_hint = false} : vector<2048x32xbf16>, vector<32x256xbf16>, vector<2048x256xf32> -> vector<2048x256xf32>
    %get3A_15 = arith.constant 0 : index
    %get3A_16 = arith.constant 0 : index
    %get3A_17 = vector.load %arg3[%get3A_15, %get3A_16] : memref<1x256xf32, #tpu.memory_space<vmem>>, vector<1x256xf32>
    %add3A = vector.broadcast %get3A_17 : vector<1x256xf32> to vector<2048x256xf32>
    %add3A_18 = arith.addf %dot_general3A_14, %add3A : vector<2048x256xf32>
    %max3A = arith.constant 0.000000e+00 : f32
    %max3A_19 = vector.broadcast %max3A : f32 to vector<2048x256xf32>
    %max3A_20 = arith.maximumf %add3A_18, %max3A_19 : vector<2048x256xf32>
    %convert_element_type3A_21 = arith.truncf %max3A_20 : vector<2048x256xf32> to vector<2048x256xbf16>
    %dot_general3A_22 = arith.constant dense<0.000000e+00> : vector<2048x128xf32>
    %dot_general3A_23 = tpu.matmul %convert_element_type3A_21, %convert_element_type3A_5, %dot_general3A_22 {dimension_numbers = #tpu.dot_dimension_numbers<[1], [0], [0], [1], [0, 0, 1, 1], [], []>, transpose_lhs_hint = false} : vector<2048x256xbf16>, vector<256x128xbf16>, vector<2048x128xf32> -> vector<2048x128xf32>
    %get3A_24 = arith.constant 0 : index
    %get3A_25 = arith.constant 0 : index
    %get3A_26 = vector.load %arg5[%get3A_24, %get3A_25] : memref<1x128xf32, #tpu.memory_space<vmem>>, vector<1x128xf32>
    %add3A_27 = vector.broadcast %get3A_26 : vector<1x128xf32> to vector<2048x128xf32>
    %add3A_28 = arith.addf %dot_general3A_23, %add3A_27 : vector<2048x128xf32>
    %max3A_29 = arith.constant 0.000000e+00 : f32
    %max3A_30 = vector.broadcast %max3A_29 : f32 to vector<2048x128xf32>
    %max3A_31 = arith.maximumf %add3A_28, %max3A_30 : vector<2048x128xf32>
    %convert_element_type3A_32 = arith.truncf %max3A_31 : vector<2048x128xf32> to vector<2048x128xbf16>
    %dot_general3A_33 = arith.constant dense<0.000000e+00> : vector<2048x64xf32>
    %dot_general3A_34 = tpu.matmul %convert_element_type3A_32, %convert_element_type3A_9, %dot_general3A_33 {dimension_numbers = #tpu.dot_dimension_numbers<[1], [0], [0], [1], [0, 0, 1, 1], [], []>, transpose_lhs_hint = false} : vector<2048x128xbf16>, vector<128x64xbf16>, vector<2048x64xf32> -> vector<2048x64xf32>
    %get3A_35 = arith.constant 0 : index
    %get3A_36 = arith.constant 0 : index
    %get3A_37 = vector.load %arg7[%get3A_35, %get3A_36] : memref<1x64xf32, #tpu.memory_space<vmem>>, vector<1x64xf32>
    %add3A_38 = vector.broadcast %get3A_37 : vector<1x64xf32> to vector<2048x64xf32>
    %add3A_39 = arith.addf %dot_general3A_34, %add3A_38 : vector<2048x64xf32>
    %get3A_40 = arith.constant 0 : index
    %get3A_41 = arith.constant 32 : index
    %get3A_42 = vector.load %arg1[%get3A_40, %get3A_41] : memref<2048x128xf32, #tpu.memory_space<vmem>>, vector<2048x32xf32>
    %convert_element_type3A_43 = arith.truncf %get3A_42 : vector<2048x32xf32> to vector<2048x32xbf16>
    %dot_general3A_44 = arith.constant dense<0.000000e+00> : vector<2048x256xf32>
    %dot_general3A_45 = tpu.matmul %convert_element_type3A_43, %convert_element_type3A, %dot_general3A_44 {dimension_numbers = #tpu.dot_dimension_numbers<[1], [0], [0], [1], [0, 0, 1, 1], [], []>, transpose_lhs_hint = false} : vector<2048x32xbf16>, vector<32x256xbf16>, vector<2048x256xf32> -> vector<2048x256xf32>
    %get3A_46 = arith.constant 0 : index
    %get3A_47 = arith.constant 0 : index
    %get3A_48 = vector.load %arg3[%get3A_46, %get3A_47] : memref<1x256xf32, #tpu.memory_space<vmem>>, vector<1x256xf32>
    %add3A_49 = vector.broadcast %get3A_48 : vector<1x256xf32> to vector<2048x256xf32>
    %add3A_50 = arith.addf %dot_general3A_45, %add3A_49 : vector<2048x256xf32>
    %max3A_51 = arith.constant 0.000000e+00 : f32
    %max3A_52 = vector.broadcast %max3A_51 : f32 to vector<2048x256xf32>
    %max3A_53 = arith.maximumf %add3A_50, %max3A_52 : vector<2048x256xf32>
    %convert_element_type3A_54 = arith.truncf %max3A_53 : vector<2048x256xf32> to vector<2048x256xbf16>
    %dot_general3A_55 = arith.constant dense<0.000000e+00> : vector<2048x128xf32>
    %dot_general3A_56 = tpu.matmul %convert_element_type3A_54, %convert_element_type3A_5, %dot_general3A_55 {dimension_numbers = #tpu.dot_dimension_numbers<[1], [0], [0], [1], [0, 0, 1, 1], [], []>, transpose_lhs_hint = false} : vector<2048x256xbf16>, vector<256x128xbf16>, vector<2048x128xf32> -> vector<2048x128xf32>
    %get3A_57 = arith.constant 0 : index
    %get3A_58 = arith.constant 0 : index
    %get3A_59 = vector.load %arg5[%get3A_57, %get3A_58] : memref<1x128xf32, #tpu.memory_space<vmem>>, vector<1x128xf32>
    %add3A_60 = vector.broadcast %get3A_59 : vector<1x128xf32> to vector<2048x128xf32>
    %add3A_61 = arith.addf %dot_general3A_56, %add3A_60 : vector<2048x128xf32>
    %max3A_62 = arith.constant 0.000000e+00 : f32
    %max3A_63 = vector.broadcast %max3A_62 : f32 to vector<2048x128xf32>
    %max3A_64 = arith.maximumf %add3A_61, %max3A_63 : vector<2048x128xf32>
    %convert_element_type3A_65 = arith.truncf %max3A_64 : vector<2048x128xf32> to vector<2048x128xbf16>
    %dot_general3A_66 = arith.constant dense<0.000000e+00> : vector<2048x64xf32>
    %dot_general3A_67 = tpu.matmul %convert_element_type3A_65, %convert_element_type3A_9, %dot_general3A_66 {dimension_numbers = #tpu.dot_dimension_numbers<[1], [0], [0], [1], [0, 0, 1, 1], [], []>, transpose_lhs_hint = false} : vector<2048x128xbf16>, vector<128x64xbf16>, vector<2048x64xf32> -> vector<2048x64xf32>
    %get3A_68 = arith.constant 0 : index
    %get3A_69 = arith.constant 0 : index
    %get3A_70 = vector.load %arg7[%get3A_68, %get3A_69] : memref<1x64xf32, #tpu.memory_space<vmem>>, vector<1x64xf32>
    %add3A_71 = vector.broadcast %get3A_70 : vector<1x64xf32> to vector<2048x64xf32>
    %add3A_72 = arith.addf %dot_general3A_67, %add3A_71 : vector<2048x64xf32>
    %get3A_73 = arith.constant 0 : index
    %get3A_74 = arith.constant 64 : index
    %get3A_75 = vector.load %arg1[%get3A_73, %get3A_74] : memref<2048x128xf32, #tpu.memory_space<vmem>>, vector<2048x32xf32>
    %convert_element_type3A_76 = arith.truncf %get3A_75 : vector<2048x32xf32> to vector<2048x32xbf16>
    %dot_general3A_77 = arith.constant dense<0.000000e+00> : vector<2048x256xf32>
    %dot_general3A_78 = tpu.matmul %convert_element_type3A_76, %convert_element_type3A, %dot_general3A_77 {dimension_numbers = #tpu.dot_dimension_numbers<[1], [0], [0], [1], [0, 0, 1, 1], [], []>, transpose_lhs_hint = false} : vector<2048x32xbf16>, vector<32x256xbf16>, vector<2048x256xf32> -> vector<2048x256xf32>
    %get3A_79 = arith.constant 0 : index
    %get3A_80 = arith.constant 0 : index
    %get3A_81 = vector.load %arg3[%get3A_79, %get3A_80] : memref<1x256xf32, #tpu.memory_space<vmem>>, vector<1x256xf32>
    %add3A_82 = vector.broadcast %get3A_81 : vector<1x256xf32> to vector<2048x256xf32>
    %add3A_83 = arith.addf %dot_general3A_78, %add3A_82 : vector<2048x256xf32>
    %max3A_84 = arith.constant 0.000000e+00 : f32
    %max3A_85 = vector.broadcast %max3A_84 : f32 to vector<2048x256xf32>
    %max3A_86 = arith.maximumf %add3A_83, %max3A_85 : vector<2048x256xf32>
    %convert_element_type3A_87 = arith.truncf %max3A_86 : vector<2048x256xf32> to vector<2048x256xbf16>
    %dot_general3A_88 = arith.constant dense<0.000000e+00> : vector<2048x128xf32>
    %dot_general3A_89 = tpu.matmul %convert_element_type3A_87, %convert_element_type3A_5, %dot_general3A_88 {dimension_numbers = #tpu.dot_dimension_numbers<[1], [0], [0], [1], [0, 0, 1, 1], [], []>, transpose_lhs_hint = false} : vector<2048x256xbf16>, vector<256x128xbf16>, vector<2048x128xf32> -> vector<2048x128xf32>
    %get3A_90 = arith.constant 0 : index
    %get3A_91 = arith.constant 0 : index
    %get3A_92 = vector.load %arg5[%get3A_90, %get3A_91] : memref<1x128xf32, #tpu.memory_space<vmem>>, vector<1x128xf32>
    %add3A_93 = vector.broadcast %get3A_92 : vector<1x128xf32> to vector<2048x128xf32>
    %add3A_94 = arith.addf %dot_general3A_89, %add3A_93 : vector<2048x128xf32>
    %max3A_95 = arith.constant 0.000000e+00 : f32
    %max3A_96 = vector.broadcast %max3A_95 : f32 to vector<2048x128xf32>
    %max3A_97 = arith.maximumf %add3A_94, %max3A_96 : vector<2048x128xf32>
    %convert_element_type3A_98 = arith.truncf %max3A_97 : vector<2048x128xf32> to vector<2048x128xbf16>
    %dot_general3A_99 = arith.constant dense<0.000000e+00> : vector<2048x64xf32>
    %dot_general3A_100 = tpu.matmul %convert_element_type3A_98, %convert_element_type3A_9, %dot_general3A_99 {dimension_numbers = #tpu.dot_dimension_numbers<[1], [0], [0], [1], [0, 0, 1, 1], [], []>, transpose_lhs_hint = false} : vector<2048x128xbf16>, vector<128x64xbf16>, vector<2048x64xf32> -> vector<2048x64xf32>
    %get3A_101 = arith.constant 0 : index
    %get3A_102 = arith.constant 0 : index
    %get3A_103 = vector.load %arg7[%get3A_101, %get3A_102] : memref<1x64xf32, #tpu.memory_space<vmem>>, vector<1x64xf32>
    %add3A_104 = vector.broadcast %get3A_103 : vector<1x64xf32> to vector<2048x64xf32>
    %add3A_105 = arith.addf %dot_general3A_100, %add3A_104 : vector<2048x64xf32>
    %get3A_106 = arith.constant 0 : index
    %get3A_107 = arith.constant 96 : index
    %get3A_108 = vector.load %arg1[%get3A_106, %get3A_107] : memref<2048x128xf32, #tpu.memory_space<vmem>>, vector<2048x32xf32>
    %convert_element_type3A_109 = arith.truncf %get3A_108 : vector<2048x32xf32> to vector<2048x32xbf16>
    %dot_general3A_110 = arith.constant dense<0.000000e+00> : vector<2048x256xf32>
    %dot_general3A_111 = tpu.matmul %convert_element_type3A_109, %convert_element_type3A, %dot_general3A_110 {dimension_numbers = #tpu.dot_dimension_numbers<[1], [0], [0], [1], [0, 0, 1, 1], [], []>, transpose_lhs_hint = false} : vector<2048x32xbf16>, vector<32x256xbf16>, vector<2048x256xf32> -> vector<2048x256xf32>
    %get3A_112 = arith.constant 0 : index
    %get3A_113 = arith.constant 0 : index
    %get3A_114 = vector.load %arg3[%get3A_112, %get3A_113] : memref<1x256xf32, #tpu.memory_space<vmem>>, vector<1x256xf32>
    %add3A_115 = vector.broadcast %get3A_114 : vector<1x256xf32> to vector<2048x256xf32>
    %add3A_116 = arith.addf %dot_general3A_111, %add3A_115 : vector<2048x256xf32>
    %max3A_117 = arith.constant 0.000000e+00 : f32
    %max3A_118 = vector.broadcast %max3A_117 : f32 to vector<2048x256xf32>
    %max3A_119 = arith.maximumf %add3A_116, %max3A_118 : vector<2048x256xf32>
    %convert_element_type3A_120 = arith.truncf %max3A_119 : vector<2048x256xf32> to vector<2048x256xbf16>
    %dot_general3A_121 = arith.constant dense<0.000000e+00> : vector<2048x128xf32>
    %dot_general3A_122 = tpu.matmul %convert_element_type3A_120, %convert_element_type3A_5, %dot_general3A_121 {dimension_numbers = #tpu.dot_dimension_numbers<[1], [0], [0], [1], [0, 0, 1, 1], [], []>, transpose_lhs_hint = false} : vector<2048x256xbf16>, vector<256x128xbf16>, vector<2048x128xf32> -> vector<2048x128xf32>
    %get3A_123 = arith.constant 0 : index
    %get3A_124 = arith.constant 0 : index
    %get3A_125 = vector.load %arg5[%get3A_123, %get3A_124] : memref<1x128xf32, #tpu.memory_space<vmem>>, vector<1x128xf32>
    %add3A_126 = vector.broadcast %get3A_125 : vector<1x128xf32> to vector<2048x128xf32>
    %add3A_127 = arith.addf %dot_general3A_122, %add3A_126 : vector<2048x128xf32>
    %max3A_128 = arith.constant 0.000000e+00 : f32
    %max3A_129 = vector.broadcast %max3A_128 : f32 to vector<2048x128xf32>
    %max3A_130 = arith.maximumf %add3A_127, %max3A_129 : vector<2048x128xf32>
    %convert_element_type3A_131 = arith.truncf %max3A_130 : vector<2048x128xf32> to vector<2048x128xbf16>
    %dot_general3A_132 = arith.constant dense<0.000000e+00> : vector<2048x64xf32>
    %dot_general3A_133 = tpu.matmul %convert_element_type3A_131, %convert_element_type3A_9, %dot_general3A_132 {dimension_numbers = #tpu.dot_dimension_numbers<[1], [0], [0], [1], [0, 0, 1, 1], [], []>, transpose_lhs_hint = false} : vector<2048x128xbf16>, vector<128x64xbf16>, vector<2048x64xf32> -> vector<2048x64xf32>
    %get3A_134 = arith.constant 0 : index
    %get3A_135 = arith.constant 0 : index
    %get3A_136 = vector.load %arg7[%get3A_134, %get3A_135] : memref<1x64xf32, #tpu.memory_space<vmem>>, vector<1x64xf32>
    %add3A_137 = vector.broadcast %get3A_136 : vector<1x64xf32> to vector<2048x64xf32>
    %add3A_138 = arith.addf %dot_general3A_133, %add3A_137 : vector<2048x64xf32>
    %stack3A = vector.shape_cast %add3A_39 : vector<2048x64xf32> to vector<2048x1x64xf32>
    %stack3A_139 = vector.shape_cast %add3A_72 : vector<2048x64xf32> to vector<2048x1x64xf32>
    %stack3A_140 = vector.shape_cast %add3A_105 : vector<2048x64xf32> to vector<2048x1x64xf32>
    %stack3A_141 = vector.shape_cast %add3A_138 : vector<2048x64xf32> to vector<2048x1x64xf32>
    %stack3A_142 = tpu.concatenate %stack3A, %stack3A_139, %stack3A_140, %stack3A_141 in 1 : vector<2048x1x64xf32>, vector<2048x1x64xf32>, vector<2048x1x64xf32>, vector<2048x1x64xf32> -> vector<2048x4x64xf32>
    %reshape3A = vector.shape_cast %stack3A_142 : vector<2048x4x64xf32> to vector<8192x64xf32>
    %slice3A = vector.extract_strided_slice %reshape3A {offsets = [0, 0], sizes = [4096, 64], strides = [1, 1]} : vector<8192x64xf32> to vector<4096x64xf32>
    %transpose3A = tpu.transpose %slice3A, [1, 0] : vector<4096x64xf32> -> vector<64x4096xf32>
    %slice3A_143 = vector.extract_strided_slice %reshape3A {offsets = [4096, 0], sizes = [4096, 64], strides = [1, 1]} : vector<8192x64xf32> to vector<4096x64xf32>
    %transpose3A_144 = tpu.transpose %slice3A_143, [1, 0] : vector<4096x64xf32> -> vector<64x4096xf32>
    %stack3A_145 = vector.shape_cast %transpose3A : vector<64x4096xf32> to vector<1x64x4096xf32>
    %stack3A_146 = vector.shape_cast %transpose3A_144 : vector<64x4096xf32> to vector<1x64x4096xf32>
    %stack3A_147 = tpu.concatenate %stack3A_145, %stack3A_146 in 0 : vector<1x64x4096xf32>, vector<1x64x4096xf32> -> vector<2x64x4096xf32>
    %swap3A = arith.constant 0 : index
    %swap3A_148 = arith.constant 0 : index
    %swap3A_149 = arith.constant 0 : index
    %swap3A_150 = vector.load %arg8[%swap3A, %swap3A_148, %swap3A_149] : memref<2x64x4096xf32, #tpu.memory_space<vmem>>, vector<2x64x4096xf32>
    tpu.vector_store %arg8[%swap3A, %swap3A_148, %swap3A_149], %stack3A_147 {strides = array<i32>} : memref<2x64x4096xf32, #tpu.memory_space<vmem>>, vector<2x64x4096xf32>,
    return
  }
  func.func @transform_0(%arg0: i32) -> (i32, i32) {
    %c0_i32 = arith.constant 0 : i32
    %c0_i32_0 = arith.constant 0 : i32
    return %arg0, %c0_i32 : i32, i32
  }
  func.func @transform_1(%arg0: i32) -> (i32, i32) {
    %c0_i32 = arith.constant 0 : i32
    %c0_i32_0 = arith.constant 0 : i32
    %c0_i32_1 = arith.constant 0 : i32
    return %c0_i32, %c0_i32_0 : i32, i32
  }
  func.func @transform_2(%arg0: i32) -> (i32, i32) {
    %c0_i32 = arith.constant 0 : i32
    %c0_i32_0 = arith.constant 0 : i32
    %c0_i32_1 = arith.constant 0 : i32
    return %c0_i32, %c0_i32_0 : i32, i32
  }
  func.func @transform_3(%arg0: i32) -> (i32, i32) {
    %c0_i32 = arith.constant 0 : i32
    %c0_i32_0 = arith.constant 0 : i32
    %c0_i32_1 = arith.constant 0 : i32
    return %c0_i32, %c0_i32_0 : i32, i32
  }
  func.func @transform_4(%arg0: i32) -> (i32, i32) {
    %c0_i32 = arith.constant 0 : i32
    %c0_i32_0 = arith.constant 0 : i32
    %c0_i32_1 = arith.constant 0 : i32
    return %c0_i32, %c0_i32_0 : i32, i32
  }
  func.func @transform_5(%arg0: i32) -> (i32, i32) {
    %c0_i32 = arith.constant 0 : i32
    %c0_i32_0 = arith.constant 0 : i32
    %c0_i32_1 = arith.constant 0 : i32
    return %c0_i32, %c0_i32_0 : i32, i32
  }
  func.func @transform_6(%arg0: i32) -> (i32, i32) {
    %c0_i32 = arith.constant 0 : i32
    %c0_i32_0 = arith.constant 0 : i32
    %c0_i32_1 = arith.constant 0 : i32
    return %c0_i32, %c0_i32_0 : i32, i32
  }
  func.func @transform_7(%arg0: i32) -> (i32, i32, i32) {
    %c0_i32 = arith.constant 0 : i32
    %c0_i32_0 = arith.constant 0 : i32
    %c0_i32_1 = arith.constant 0 : i32
    return %arg0, %c0_i32, %c0_i32_0 : i32, i32, i32
  }
}

</mosaic_0001>

<sc_bundles>
// kernel: kernel.6.cloned.1.call-start
scs
__scs_entry_jumppad:
0x0: {  	(pc) =	sbr.rel $0x88, $3  }
0x1: {  	(tag) =	ssettag $0x0;
	lr =	simm.s32 $0x1  }
0x2: {  	[smem:$0x3F96] =	sst lr;
	_ =	strace $0xD0000000  }
0x3: {  	_ = 	snop  }
0x4: {  	_ = 	snop  }
0x5: {  	_ = 	snop  }
0x6: {  	_ = 	snop  }
0x7: {  	_ = 	snop  }
__scs_overlays_trampoline_lowered:
0x8: {  	[smem:$0x3FA5] =	sst s0  }
0x9: {  	[smem:$0x3FA6] =	sst s1  }
0xa: {  	[smem:$0x3FA7] =	sst s2  }
0xb: {  	[smem:$0x3FA8] =	sst s3  }
0xc: {  	[smem:$0x3FA9] =	sst s4  }
0xd: {  	[smem:$0x3FAA] =	sst s5  }
0xe: {  	[smem:$0x3FAB] =	sst s6  }
0xf: {  	[smem:$0x3FAC] =	sst s7  }
0x10: {  	[smem:$0x3FAD] =	sst s8  }
0x11: {  	[smem:$0x3FAE] =	sst s9;
	s0 =	simm.s32 @!p0 $0x0  }
0x12: {  	s1 =	sld [smem:$0x3F94];
	s0 =	simm.s32 @p0 $0x1  }
0x13: {  	[smem:$0x3FAF] =	sst s0;
	s0 =	simm.s32 @!p1 $0x0  }
0x14: {  	s2 =	sld [smem:$0x3F93];
	s0 =	simm.s32 @p1 $0x1  }
0x15: {  	[smem:$0x3FB0] =	sst s0;
	s0 =	simm.s32 @!p2 $0x0  }
0x16: {  	s3 =	sld [smem:$0x3FDB];
	s0 =	simm.s32 @p2 $0x1  }
0x17: {  	s4 =	simm.s32 $0x1BF5;
	[smem:$0x3FB2] =	sst s0  }
0x18: {  	s0 =	sld [smem:$0x3F95];
	_ =	swait.ge [sflag:s4], $0x0  }
0x19: {  	s7 =	sld [smem:$0x3F96]  }
0x1a: {  	s8 =	sadd.s32 $0xFFFFE003, lr  }
0x1b: {  	s9 =	sadd.s32 $0xFFFFFEF7, lr;
	s5 =	simm.s32 $0xFFFFFFFF;
	p2 =	slt.u32 s8, $0xFFFFF086  }
0x1c: {  	p1 =	slt.u32 s9, $0xF7A;
	s5 =	simm.s32 @!p2 $0x0  }
0x1d: {  	s5 =	simm.s32 @p1 $0x1;
	p0 =	seq.s32 s7, s2  }
0x1e: {  	s7 =	smul.u32 @!p0 $0xF7A, s2;
	p2 =	seq.s32 @!p0 s5, $0x0  }
0x1f: {  	s9 =	smul.u32 $0xF7A, s1;
	s8 =	simm.s32 @!p0 $0x1BF5;
	p2 =	por !p2, p0  }
0x20: {  	[sflag:s8] =	ssyncset.s32 @!p0 $0xFFFFF086;
	s6 =	sadd.s32 @!p0 s3, s7;
	s7 =	simm.s32 @!p0 $0x108  }
0x21: {  	s3 =	sadd.s32 s3, s9;
	s6 =	sadd.s32 @!p0 $0x88, s6;
	s7 =	simm.s32 @p2 $0x1082  }
0x22: {  	[simem:s7], [sflag:s8] =	dma.local @!p0 [hbm:s6], $0xF7A  }
0x23: {  	s9 =	sor.u32 $0xD0000000, s2;
	s6 =	simm.s32 $0x108;
	_ =	swait.ge @!p0 [sflag:s8], $0x0  }
0x24: {  	s3 =	sadd.s32 $0x88, s3;
	s6 =	simm.s32 @!p1 $0x1082;
	[sflag:s4] =	ssyncset.s32 $0xFFFFF086  }
0x25: {  	[simem:s6], [sflag:s4] =	dma.local [hbm:s3], $0xF7A  }
0x26: {  	[smem:$0x3F96] =	sst s1;
	(tag) =	ssettag s2;
	_ =	strace s9  }
0x27: {  	s1 =	sld [smem:$0x3FA6]  }
0x28: {  	s2 =	sld [smem:$0x3FA7]  }
0x29: {  	s4 =	sld [smem:$0x3FA9]  }
0x2a: {  	p0 =	seq.s32 s5, $0x0;
	s5 =	sld [smem:$0x3FAA]  }
0x2b: {  	s6 =	sld [smem:$0x3FAB]  }
0x2c: {  	s7 =	sld [smem:$0x3FAC]  }
0x2d: {  	s3 =	simm.s32 $0x108;
	s8 =	sld [smem:$0x3FAD]  }
0x2e: {  	s3 =	simm.s32 @!p0 $0x1082;
	s9 =	sld [smem:$0x3FAE]  }
0x2f: {  	lr =	sadd.s32 s0, s3;
	s0 =	sld [smem:$0x3FA5]  }
0x30: {  	s3 =	sld [smem:$0x3FA8]  }
0x31: {  	[smem:$0x3FB1] =	sst s10  }
0x32: {  	s10 =	sld [smem:$0x3FAF];
	_ =	sdelay $0x3  }
0x33: {  	p0 =	seq.s32 s10, $0x1;
	s10 =	sld [smem:$0x3FB1];
	_ =	sdelay $0x3  }
0x34: {  	[smem:$0x3FB1] =	sst s10  }
0x35: {  	s10 =	sld [smem:$0x3FB0];
	_ =	sdelay $0x3  }
0x36: {  	p1 =	seq.s32 s10, $0x1;
	s10 =	sld [smem:$0x3FB1];
	_ =	sdelay $0x3  }
0x37: {  	[smem:$0x3FB1] =	sst s10  }
0x38: {  	s10 =	sld [smem:$0x3FB2]  }
0x39: {  	_ = 	snop;
	(pc) =	sbr.ind lr, $3  }
0x3a: {  	_ = 	snop  }
0x3b: {  	_ = 	snop  }
0x3c: {  	p2 =	seq.s32 s10, $0x1;
	s10 =	sld [smem:$0x3FB1]  }
0x3d: {  	_ =	shalt  }
0x3e: {  	_ =	shalt  }
0x3f: {  	_ =	shalt  }
0x40: {  	_ =	shalt  }
0x41: {  	_ =	shalt  }
0x42: {  	_ =	shalt  }
0x43: {  	_ =	shalt  }
0x44: {  	_ =	shalt  }
0x45: {  	_ =	shalt  }
0x46: {  	_ =	shalt  }
0x47: {  	_ =	shalt  }
0x48: {  	_ =	shalt  }
0x49: {  	_ =	shalt  }
0x4a: {  	_ =	shalt  }
0x4b: {  	_ =	shalt  }
0x4c: {  	_ =	shalt  }
0x4d: {  	_ =	shalt  }
0x4e: {  	_ =	shalt  }
0x4f: {  	_ =	shalt  }
0x50: {  	_ =	shalt  }
0x51: {  	_ =	shalt  }
0x52: {  	_ =	shalt  }
0x53: {  	_ =	shalt  }
0x54: {  	_ =	shalt  }
0x55: {  	_ =	shalt  }
0x56: {  	_ =	shalt  }
0x57: {  	_ =	shalt  }
0x58: {  	_ =	shalt  }
0x59: {  	_ =	shalt  }
0x5a: {  	_ =	shalt  }
0x5b: {  	_ =	shalt  }
0x5c: {  	_ =	shalt  }
0x5d: {  	_ =	shalt  }
0x5e: {  	_ =	shalt  }
0x5f: {  	_ =	shalt  }
0x60: {  	_ =	shalt  }
0x61: {  	_ =	shalt  }
0x62: {  	_ =	shalt  }
0x63: {  	_ =	shalt  }
0x64: {  	_ =	shalt  }
0x65: {  	_ =	shalt  }
0x66: {  	_ =	shalt  }
0x67: {  	_ =	shalt  }
0x68: {  	_ =	shalt  }
0x69: {  	_ =	shalt  }
0x6a: {  	_ =	shalt  }
0x6b: {  	_ =	shalt  }
0x6c: {  	_ =	shalt  }
0x6d: {  	_ =	shalt  }
0x6e: {  	_ =	shalt  }
0x6f: {  	_ =	shalt  }
0x70: {  	_ =	shalt  }
0x71: {  	_ =	shalt  }
0x72: {  	_ =	shalt  }
0x73: {  	_ =	shalt  }
0x74: {  	_ =	shalt  }
0x75: {  	_ =	shalt  }
0x76: {  	_ =	shalt  }
0x77: {  	_ =	shalt  }
0x78: {  	_ =	shalt  }
0x79: {  	_ =	shalt  }
0x7a: {  	_ =	shalt  }
0x7b: {  	_ =	shalt  }
0x7c: {  	_ =	shalt  }
0x7d: {  	_ =	shalt  }
0x7e: {  	_ =	shalt  }
0x7f: {  	_ =	shalt  }
0x80: {  	_ =	shalt  }
0x81: {  	_ =	shalt  }
0x82: {  	_ =	shalt  }
0x83: {  	_ =	shalt  }
0x84: {  	_ =	shalt  }
0x85: {  	_ =	shalt  }
0x86: {  	_ =	shalt  }
0x87: {  	_ =	shalt  }
.Lfunc_end0:
.L_simem_size_0:
called_computation_lowered:
.L_overlay_start_0:
0x88: {  	s2 =	sld [smem:$0x3FD9]  }
0x89: {  	s3 =	sld [smem:$0x3FFE];
	_ =	sdelay $0x1  }
0x8a: {  	s1 =	srdreg.scid  }
0x8b: {  	s0 =	sand.u32 $0x1, s1  }
0x8c: {  	s14 =	sshll.u32 s0, $0xA;
	s2 =	sadd.s32 s3, s2  }
0x8d: {  	s2 =	sadd.s32 s2, s14  }
0x8e: {  	[smem:$0x3FBD] =	sst s2  }
0x8f: {  	_ = 	snop  }
0x90: {  	s2 =	sld [smem:$0x3FD0];
	_ =	sdelay $0x2  }
0x91: {  	s15 =	simm.s32 $0xA;
	s4 =	simm.s32 $0x10  }
0x92: {  	[smem:s4], [sflag:s15] =	dma.local [hbm:s2], $0x1  }
0x93: {  	_ =	swait.eq [sflag:s15], $0x1  }
0x94: {  	[sflag:s15] =	ssyncset.done $0x0  }
0x95: {  	[sflag:s15] =	ssyncadd.s32 $0xFFFFFFFF  }
0x96: {  	s16 =	sld [smem:$0x11];
	(tm) =	ssettm $0x1  }
0x97: {  	s17 =	sld [smem:$0x3FFB];
	_ =	sdelay $0x3  }
0x98: {  	_ =	strace s17  }
0x99: {  	s3 =	sld [smem:$0x3FFC];
	_ =	sdelay $0x3  }
0x9a: {  	_ =	strace s3  }
0x9b: {  	s3 =	sld [smem:$0x3FFD];
	_ =	sdelay $0x3  }
0x9c: {  	_ =	strace s3  }
0x9d: {  	_ =	strace $0x8FFFFFFF  }
0x9e: {  	s18 =	sld [smem:$0x3FDB];
	_ =	sdelay $0x1  }
0x9f: {  	s19 =	simm.s32 $_scs_section_size  }
0xa0: {  	s5 =	simm.s32 $_size__tile_overlayer_lowered;
	s6 =	simm.s32 $_tile_overlayer_lowered  }
0xa1: {  	s22 =	simm.s32 $0x1BFF;
	s21 =	sshll.u32 s6, $0x1;
	s3 =	sadd.s32 s19, s18  }
0xa2: {  	s7 =	simm.s32 $0x0;
	s20 =	sshll.u32 s5, $0x1;
	s5 =	sadd.s32 s21, s3  }
0xa3: {  	[timem:s7], [sflag:s22] =	dma.local [hbm:s5], s20  }
0xa4: {  	_ =	swait.ge [sflag:s22], s20  }
0xa5: {  	s4 =	ssub.s32 $0x0, s20;
	[sflag:s22] =	ssyncset.done $0x0  }
0xa6: {  	[sflag:s22] =	ssyncadd.s32 s4;
	_ =	sdelay $0x1  }
0xa7: {  	s23 =	simm.s32 $0x1B8B  }
0xa8: {  	_ =	swait.ge [sflag:s23], $0x1  }
0xa9: {  	[sflag:s23] =	ssyncset.done $0x0  }
0xaa: {  	s25 =	simm.s32 $0x1B8E;
	s24 =	sld [smem:$0x3FFE];
	[sflag:s23] =	ssyncadd.s32 $0xFFFFFFFF  }
0xab: {  	s26 =	simm.s32 $execute0_lowered;
	[smem:$0x3FD2] =	sst s25  }
0xac: {  	s5 =	sshll.u32 s26, $0x1;
	_ =	strace $0x80000046;
	[dreg:$0x1] =	wrdreg $0xFFFFFFFF  }
0xad: {  	s28 =	simm.s32 $_size_execute0_lowered;
	s3 =	sadd.s32 s3, s5;
	[dreg:$0x0] =	wrdreg $0x0  }
0xae: {  	s5 =	sshll.u32 s28, $0x1;
	[dreg:$0x2] =	wrdreg s3  }
0xaf: {  	[dreg:$0x3] =	wrdreg s5  }
0xb0: {  	[dreg:$0x4] =	wrdreg $0xC0  }
0xb1: {  	_ =	task [dreg:s7], $0x5FFFF  }
0xb2: {  	[dreg:$0x1] =	wrdreg $0xFFFFFFFF  }
0xb3: {  	[dreg:$0x0] =	wrdreg $0x60  }
0xb4: {  	[dreg:$0x2] =	wrdreg s24  }
0xb5: {  	[dreg:$0x3] =	wrdreg s16  }
0xb6: {  	[dreg:$0x4] =	wrdreg $0x9  }
0xb7: {  	_ =	task.clear_ibuf [dreg:s7], $0x5FFFF;
	_ =	strace $0x90000046  }
0xb8: {  	s29 =	simm.s32 $0x9;
	_ =	strace $0x80000048  }
0xb9: {  	_ =	swait.ge [sflag:s29], $0x1  }
0xba: {  	[sflag:s29] =	ssyncadd.s32 $0xFFFFFFFF  }
0xbb: {  	_ =	strace $0x90000048  }
0xbc: {  	_ =	sfence  }
0xbd: {  	s30 =	sld [smem:$0x0];
	_ =	sdelay $0x2  }
0xbe: {  	s31 =	sshll.u32 s1, $0xD;
	s1 =	sshrl.u32 s1, $0x2  }
0xbf: {  	s3 =	sand.u32 $0x4000, s31;
	s1 =	sadd.s32 s1, s30  }
0xc0: {  	s0 =	sor.u32 s3, s0;
	s1 =	sshll.u32 s1, $0x11  }
0xc1: {  	s0 =	sor.u32 s1, s0  }
0xc2: {  	s0 =	sadd.s32 $0x8F2B, s0  }
0xc3: {  	[sflag:s0] =	ssyncadd.remote.s32 $0x1  }
0xc4: {  	_ =	sfence.sel $0xFFFF  }
0xc5: {  	[dreg:$0x0] =	wrdreg $0xFFFFFFFF;
	(pc) =	sbr.abs _section_cstart, $3  }
0xc6: {  	[dreg:$0x1] =	wrdreg $0xFFFFFFFF  }
0xc7: {  	_ =	task.clear_ibuf [dreg:s7], $0x2FFFF;
	_ =	strace $0x9FFFFFFF  }
0xc8: {  	(tm) =	ssettm $0x7FFFFFFF  }
0xc9: {  	_ =	shalt  }
tec
execute0_lowered:
.L_overlay_start_1:
0x0: {  	(tag) =	ssettag $0x1  }
0x1: {  	s4 =	rddreg [dreg:$0x0];
	s1 =	srdreg.scid  }
0x2: {  	s0 =	stileid.u32;
	s6 =	rddreg [dreg:$0x1];
	s2 =	simm.s32 $0x0  }
0x3: {  	s14 =	simm.s32 $0x3;
	s15 =	simm.s32 $0x1A0;
	s16 =	simm.s32 $0x1  }
0x4: {  	s17 =	simm.s32 $0xDD00;
	s18 =	simm.s32 $0x2;
	s19 =	simm.s32 $0x340  }
0x5: {  	s20 =	simm.s32 $0xD00;
	s21 =	simm.s32 $0x4E0;
	s22 =	simm.s32 $0x680  }
0x6: {  	s23 =	simm.s32 $0x820;
	s3 =	sand.u32 $0x1, s1;
	s5 =	sshll.u32 s0, $0x1  }
0x7: {  	s24 =	simm.s32 $0x9C0;
	s25 =	simm.s32 $0xB60;
	s5 =	sor.u32 s3, s5  }
0x8: {  	s26 =	simm.s32 $0x0;
	s1 =	rddreg [dreg:$0x2];
	s7 =	smul.u32 $0x1A0, s5  }
0x9: {  	[smem:$0x7FF] =	sst s2;
	s8 =	ssub.s32 $0x2, s3;
	s9 =	smul.u32 $0x1A000, s5  }
0xa: {  	_ =	strace $0x80000047;
	s10 =	sshrl.u32 s8, $0x1;
	s5 =	smul.u32 $0x3400, s5  }
0xb: {  	s3 =	sadd.s32 $0x1A00, s4;
	s13 =	ssub.s32 s8, s10;
	s31 =	sshrl.u32 s9, $0x3  }
0xc: {  	s4 =	sadd.s32 s7, s4;
	s5 =	sadd.s32 s6, s5;
	s12 =	sadd.s32 s6, s31  }
0xd: {  	s13 =	smax.u32 s13, $0x1;
	s4 =	sadd.s32 $0xF43E00, s4;
	s6 =	sadd.s32 $0x680, s12  }
0xe: {  	s7 =	sadd.s32 $0xD00, s12;
	s8 =	sadd.s32 $0x1380, s12;
	s9 =	sadd.s32 $0x1A00, s12  }
0xf: {  	s10 =	sadd.s32 $0x2080, s12;
	s11 =	sadd.s32 $0x2700, s12;
	s12 =	sadd.s32 $0x2D80, s12  }
.LBB2_1:
0x10: {  	[tilespmem:s2], [sflag:$0x3] =	stream.linear.gather [hbm4b:s4+s2], $0xD00, $0x38;
	[tilespmem:$0x1AD00] =	vst v63  }
0x11: {  	_ =	swait.ge [sflag:s14], $0xD00  }
0x12: {  	[sflag:s14] =	ssyncset.done $0x0  }
0x13: {  	[sflag:s14] =	ssyncadd.s32 $0xFFFFF300  }
0x14: {  	[tilespmem:s20], [sflag:$0x1] =	stream.indirect.gather [hbm4b:s3+s15], $0x80, s2, s15, $0xb8;
	[tilespmem:$0x1AD00] =	vst v63  }
0x15: {  	_ =	swait.ge [sflag:s16], $0xD000  }
0x16: {  	s28 =	simm.s32 $0x4;
	s31 =	sadd.s32 $0x0, s5;
	[sflag:s16] =	ssyncset.done $0x0  }
0x17: {  	s29 =	simm.s32 $0xD80;
	s30 =	simm.s32 $0xD00;
	[sflag:s16] =	ssyncadd.s32 $0xFFFF3000  }
0x18: {  	[tilespmem:s17], [sflag:$0x2] =	stream.indirect.gather [hbm4b:s3+s15], $0x80, s15, s15, $0xb8;
	[tilespmem:$0x1AD00] =	vst v63  }
.LBB2_2:
0x19: {  	[hbm4b:s31+s2] =	stream.linear.scatter [tilespmem:s30], [sflag:$0x3], $0x20, $0x38;
	[tilespmem:$0x1AD00] =	vst v63  }
0x1a: {  	s31 =	smov.u32 s28;
	s30 =	smov.u32 s29;
	p0 =	sne.s32 s28, $0x67C  }
.Ltmp0:
0x1b: {  	s28 =	sadd.s32 $0x4, s28;
	(pc) =	sbr.rel @p0 .LBB2_2-.Ltmp0, $2  }
0x1c: {  	_ =	sdelay $0x2  }
0x1d: {  	s29 =	sadd.s32 $0x80, s29;
	s31 =	sadd.s32 s31, s5  }
0x1e: {  	[hbm4b:s31+s2] =	stream.linear.scatter [tilespmem:s30], [sflag:$0x3], $0x20, $0x38;
	[tilespmem:$0x1AD00] =	vst v63  }
0x1f: {  	_ =	swait.ge [sflag:s14], $0x3400  }
0x20: {  	[sflag:s14] =	ssyncset.done $0x0  }
0x21: {  	[sflag:s14] =	ssyncadd.s32 $0xFFFFCC00  }
0x22: {  	_ =	swait.ge [sflag:s18], $0xD000  }
0x23: {  	s28 =	simm.s32 $0xDD00;
	s29 =	simm.s32 $0x4;
	[sflag:s18] =	ssyncset.done $0x0  }
0x24: {  	s31 =	sadd.s32 $0x0, s6;
	s30 =	simm.s32 $0xDD80;
	[sflag:s18] =	ssyncadd.s32 $0xFFFF3000  }
0x25: {  	[tilespmem:s20], [sflag:$0x1] =	stream.indirect.gather [hbm4b:s3+s15], $0x80, s19, s15, $0xb8;
	[tilespmem:$0x1AD00] =	vst v63  }
.LBB2_4:
0x26: {  	[hbm4b:s31+s2] =	stream.linear.scatter [tilespmem:s28], [sflag:$0x3], $0x20, $0x38;
	[tilespmem:$0x1AD00] =	vst v63  }
0x27: {  	s31 =	smov.u32 s29;
	s28 =	smov.u32 s30;
	p0 =	sne.s32 s29, $0x67C  }
.Ltmp1:
0x28: {  	s29 =	sadd.s32 $0x4, s29;
	(pc) =	sbr.rel @p0 .LBB2_4-.Ltmp1, $2  }
0x29: {  	_ =	sdelay $0x2  }
0x2a: {  	s30 =	sadd.s32 $0x80, s30;
	s31 =	sadd.s32 s31, s6  }
0x2b: {  	[hbm4b:s31+s2] =	stream.linear.scatter [tilespmem:s28], [sflag:$0x3], $0x20, $0x38;
	[tilespmem:$0x1AD00] =	vst v63  }
0x2c: {  	_ =	swait.ge [sflag:s14], $0x3400  }
0x2d: {  	[sflag:s14] =	ssyncset.done $0x0  }
0x2e: {  	[sflag:s14] =	ssyncadd.s32 $0xFFFFCC00  }
0x2f: {  	_ =	swait.ge [sflag:s16], $0xD000  }
0x30: {  	s28 =	simm.s32 $0xD00;
	s29 =	simm.s32 $0x4;
	[sflag:s16] =	ssyncset.done $0x0  }
0x31: {  	s31 =	sadd.s32 $0x0, s7;
	s30 =	simm.s32 $0xD80;
	[sflag:s16] =	ssyncadd.s32 $0xFFFF3000  }
0x32: {  	[tilespmem:s17], [sflag:$0x2] =	stream.indirect.gather [hbm4b:s3+s15], $0x80, s21, s15, $0xb8;
	[tilespmem:$0x1AD00] =	vst v63  }
.LBB2_6:
0x33: {  	[hbm4b:s31+s2] =	stream.linear.scatter [tilespmem:s28], [sflag:$0x3], $0x20, $0x38;
	[tilespmem:$0x1AD00] =	vst v63  }
0x34: {  	s31 =	smov.u32 s29;
	s28 =	smov.u32 s30;
	p0 =	sne.s32 s29, $0x67C  }
.Ltmp2:
0x35: {  	s29 =	sadd.s32 $0x4, s29;
	(pc) =	sbr.rel @p0 .LBB2_6-.Ltmp2, $2  }
0x36: {  	_ =	sdelay $0x2  }
0x37: {  	s30 =	sadd.s32 $0x80, s30;
	s31 =	sadd.s32 s31, s7  }
0x38: {  	[hbm4b:s31+s2] =	stream.linear.scatter [tilespmem:s28], [sflag:$0x3], $0x20, $0x38;
	[tilespmem:$0x1AD00] =	vst v63  }
0x39: {  	_ =	swait.ge [sflag:s14], $0x3400  }
0x3a: {  	[sflag:s14] =	ssyncset.done $0x0  }
0x3b: {  	[sflag:s14] =	ssyncadd.s32 $0xFFFFCC00  }
0x3c: {  	_ =	swait.ge [sflag:s18], $0xD000  }
0x3d: {  	s28 =	simm.s32 $0xDD00;
	s29 =	simm.s32 $0x4;
	[sflag:s18] =	ssyncset.done $0x0  }
0x3e: {  	s31 =	sadd.s32 $0x0, s8;
	s30 =	simm.s32 $0xDD80;
	[sflag:s18] =	ssyncadd.s32 $0xFFFF3000  }
0x3f: {  	[tilespmem:s20], [sflag:$0x1] =	stream.indirect.gather [hbm4b:s3+s15], $0x80, s22, s15, $0xb8;
	[tilespmem:$0x1AD00] =	vst v63  }
.LBB2_8:
0x40: {  	[hbm4b:s31+s2] =	stream.linear.scatter [tilespmem:s28], [sflag:$0x3], $0x20, $0x38;
	[tilespmem:$0x1AD00] =	vst v63  }
0x41: {  	s31 =	smov.u32 s29;
	s28 =	smov.u32 s30;
	p0 =	sne.s32 s29, $0x67C  }
.Ltmp3:
0x42: {  	s29 =	sadd.s32 $0x4, s29;
	(pc) =	sbr.rel @p0 .LBB2_8-.Ltmp3, $2  }
0x43: {  	_ =	sdelay $0x2  }
0x44: {  	s30 =	sadd.s32 $0x80, s30;
	s31 =	sadd.s32 s31, s8  }
0x45: {  	[hbm4b:s31+s2] =	stream.linear.scatter [tilespmem:s28], [sflag:$0x3], $0x20, $0x38;
	[tilespmem:$0x1AD00] =	vst v63  }
0x46: {  	_ =	swait.ge [sflag:s14], $0x3400  }
0x47: {  	[sflag:s14] =	ssyncset.done $0x0  }
0x48: {  	[sflag:s14] =	ssyncadd.s32 $0xFFFFCC00  }
0x49: {  	_ =	swait.ge [sflag:s16], $0xD000  }
0x4a: {  	s28 =	simm.s32 $0xD00;
	s29 =	simm.s32 $0x4;
	[sflag:s16] =	ssyncset.done $0x0  }
0x4b: {  	s31 =	sadd.s32 $0x0, s9;
	s30 =	simm.s32 $0xD80;
	[sflag:s16] =	ssyncadd.s32 $0xFFFF3000  }
0x4c: {  	[tilespmem:s17], [sflag:$0x2] =	stream.indirect.gather [hbm4b:s3+s15], $0x80, s23, s15, $0xb8;
	[tilespmem:$0x1AD00] =	vst v63  }
.LBB2_10:
0x4d: {  	[hbm4b:s31+s2] =	stream.linear.scatter [tilespmem:s28], [sflag:$0x3], $0x20, $0x38;
	[tilespmem:$0x1AD00] =	vst v63  }
0x4e: {  	s31 =	smov.u32 s29;
	s28 =	smov.u32 s30;
	p0 =	sne.s32 s29, $0x67C  }
.Ltmp4:
0x4f: {  	s29 =	sadd.s32 $0x4, s29;
	(pc) =	sbr.rel @p0 .LBB2_10-.Ltmp4, $2  }
0x50: {  	_ =	sdelay $0x2  }
0x51: {  	s30 =	sadd.s32 $0x80, s30;
	s31 =	sadd.s32 s31, s9  }
0x52: {  	[hbm4b:s31+s2] =	stream.linear.scatter [tilespmem:s28], [sflag:$0x3], $0x20, $0x38;
	[tilespmem:$0x1AD00] =	vst v63  }
0x53: {  	_ =	swait.ge [sflag:s14], $0x3400  }
0x54: {  	[sflag:s14] =	ssyncset.done $0x0  }
0x55: {  	[sflag:s14] =	ssyncadd.s32 $0xFFFFCC00  }
0x56: {  	_ =	swait.ge [sflag:s18], $0xD000  }
0x57: {  	s28 =	simm.s32 $0xDD00;
	s29 =	simm.s32 $0x4;
	[sflag:s18] =	ssyncset.done $0x0  }
0x58: {  	s31 =	sadd.s32 $0x0, s10;
	s30 =	simm.s32 $0xDD80;
	[sflag:s18] =	ssyncadd.s32 $0xFFFF3000  }
0x59: {  	[tilespmem:s20], [sflag:$0x1] =	stream.indirect.gather [hbm4b:s3+s15], $0x80, s24, s15, $0xb8;
	[tilespmem:$0x1AD00] =	vst v63  }
.LBB2_12:
0x5a: {  	[hbm4b:s31+s2] =	stream.linear.scatter [tilespmem:s28], [sflag:$0x3], $0x20, $0x38;
	[tilespmem:$0x1AD00] =	vst v63  }
0x5b: {  	s31 =	smov.u32 s29;
	s28 =	smov.u32 s30;
	p0 =	sne.s32 s29, $0x67C  }
.Ltmp5:
0x5c: {  	s29 =	sadd.s32 $0x4, s29;
	(pc) =	sbr.rel @p0 .LBB2_12-.Ltmp5, $2  }
0x5d: {  	_ =	sdelay $0x2  }
0x5e: {  	s30 =	sadd.s32 $0x80, s30;
	s31 =	sadd.s32 s31, s10  }
0x5f: {  	[hbm4b:s31+s2] =	stream.linear.scatter [tilespmem:s28], [sflag:$0x3], $0x20, $0x38;
	[tilespmem:$0x1AD00] =	vst v63  }
0x60: {  	_ =	swait.ge [sflag:s14], $0x3400  }
0x61: {  	[sflag:s14] =	ssyncset.done $0x0  }
0x62: {  	[sflag:s14] =	ssyncadd.s32 $0xFFFFCC00  }
0x63: {  	_ =	swait.ge [sflag:s16], $0xD000  }
0x64: {  	s28 =	simm.s32 $0xD00;
	s29 =	simm.s32 $0x4;
	[sflag:s16] =	ssyncset.done $0x0  }
0x65: {  	s31 =	sadd.s32 $0x0, s11;
	s30 =	simm.s32 $0xD80;
	[sflag:s16] =	ssyncadd.s32 $0xFFFF3000  }
0x66: {  	[tilespmem:s17], [sflag:$0x2] =	stream.indirect.gather [hbm4b:s3+s15], $0x80, s25, s15, $0xb8;
	[tilespmem:$0x1AD00] =	vst v63  }
.LBB2_14:
0x67: {  	[hbm4b:s31+s2] =	stream.linear.scatter [tilespmem:s28], [sflag:$0x3], $0x20, $0x38;
	[tilespmem:$0x1AD00] =	vst v63  }
0x68: {  	s31 =	smov.u32 s29;
	s28 =	smov.u32 s30;
	p0 =	sne.s32 s29, $0x67C  }
.Ltmp6:
0x69: {  	s29 =	sadd.s32 $0x4, s29;
	(pc) =	sbr.rel @p0 .LBB2_14-.Ltmp6, $2  }
0x6a: {  	_ =	sdelay $0x2  }
0x6b: {  	s30 =	sadd.s32 $0x80, s30;
	s31 =	sadd.s32 s31, s11  }
0x6c: {  	[hbm4b:s31+s2] =	stream.linear.scatter [tilespmem:s28], [sflag:$0x3], $0x20, $0x38;
	[tilespmem:$0x1AD00] =	vst v63  }
0x6d: {  	_ =	swait.ge [sflag:s14], $0x3400  }
0x6e: {  	[sflag:s14] =	ssyncset.done $0x0  }
0x6f: {  	[sflag:s14] =	ssyncadd.s32 $0xFFFFCC00  }
0x70: {  	_ =	swait.ge [sflag:s18], $0xD000  }
0x71: {  	s28 =	simm.s32 $0xDD00;
	s29 =	simm.s32 $0x4;
	[sflag:s18] =	ssyncset.done $0x0  }
0x72: {  	s31 =	sadd.s32 $0x0, s12;
	s30 =	simm.s32 $0xDD80;
	[sflag:s18] =	ssyncadd.s32 $0xFFFF3000  }
.LBB2_16:
0x73: {  	[hbm4b:s31+s2] =	stream.linear.scatter [tilespmem:s28], [sflag:$0x3], $0x20, $0x38;
	[tilespmem:$0x1AD00] =	vst v63  }
0x74: {  	s31 =	smov.u32 s29;
	s28 =	smov.u32 s30;
	p0 =	sne.s32 s29, $0x67C  }
.Ltmp7:
0x75: {  	s29 =	sadd.s32 $0x4, s29;
	(pc) =	sbr.rel @p0 .LBB2_16-.Ltmp7, $2  }
0x76: {  	_ =	sdelay $0x2  }
0x77: {  	s30 =	sadd.s32 $0x80, s30;
	s31 =	sadd.s32 s31, s12  }
0x78: {  	s26 =	sadd.s32 $0x1, s26  }
0x79: {  	p0 =	sne.s32 s26, s13  }
.Ltmp8:
0x7a: {  	_ = 	snop;
	(pc) =	sbr.rel @p0 .LBB2_1-.Ltmp8, $4  }
0x7b: {  	[hbm4b:s31+s2] =	stream.linear.scatter [tilespmem:s28], [sflag:$0x3], $0x20, $0x38;
	[tilespmem:$0x1AD00] =	vst v63  }
0x7c: {  	_ =	swait.ge [sflag:s14], $0x3400  }
0x7d: {  	[sflag:s14] =	ssyncset.done $0x0  }
0x7e: {  	[sflag:s14] =	ssyncadd.s32 $0xFFFFCC00  }
0x7f: {  	_ =	sfence.sel $0x180000  }
0x80: {  	[bflag:$0x0] =	sbarrier.arrive $0xFFFF  }
0x81: {  	p0 =	sne.s32 s0, $0x0;
	_ =	strace $0x90000047  }
0x82: {  	s0 =	sadd.s32 @!p0 $0x100000, s1;
	[bflag:$0x2] =	sbarrier.arrive $0xFFFF  }
0x83: {  	[sflag:s0] =	ssyncadd.tile.s32 @!p0 $0x1;
	_ =	shalt  }
.Lfunc_end2:
_tile_overlayer_lowered:
.L_overlay_start_2:
0x84: {  	(tag) =	ssettag $0x2  }
0x85: {  	s0 =	rddreg [dreg:$0x0];
	s2 =	stileid.u32  }
0x86: {  	s1 =	rddreg [dreg:$0x1];
	p0 =	sne.s32 s2, $0x0  }
0x87: {  	s3 =	rddreg [dreg:$0x2];
	[bflag:$0x3] =	sbarrier.arrive $0xFFFF;
	s2 =	simm.s32 @!p0 $0x1C03  }
0x88: {  	[timem:s3], [sflag:s2] =	dma.local @!p0 [hbm:s0], s1  }
0x89: {  	s0 =	simm.s32 @!p0 $0x3  }
0x8a: {  	_ =	swait.ge @!p0 [sflag:s0], s1  }
0x8b: {  	s1 =	ssub.s32 @!p0 $0x0, s1;
	[sflag:s0] =	ssyncset.done @!p0 $0x0  }
0x8c: {  	[sflag:s0] =	ssyncadd.s32 @!p0 s1  }
0x8d: {  	[bflag:$0x3] =	sbarrier.arrive $0xFFFF  }
0x8e: {  	_ =	shalt  }

</sc_bundles>
